<compile_context>
chip_gen: v7x
topology: tpu7x:2x2x1
jax: 0.10.2.dev20260603
libtpu: 0.0.44.dev20260713+nightly
codegen_flags: <defaults>
</compile_context>

<pallas_src>
import functools
import math

import jax
import jax.numpy as jnp
from jax import lax
from jax.experimental import pallas as pl
from jax.experimental.pallas import tpu as pltpu
from jax.experimental.pallas import tpu_sc as plsc

VOCAB = 100000
D = 128
B = 4096
S = 200
SEQ = S + 1
SCALE = 1.0 / math.sqrt(D)

_info = plsc.get_sparse_core_info()
NC, NS, L = _info.num_cores, _info.num_subcores, _info.num_lanes
NW = NC * NS
BPW = B // NW
CK = 128
NCHUNK = B // CK
UNITS = S * NCHUNK // NW
NSLOT = 4


def _make_sc_gather():
    mesh = plsc.VectorSubcoreMesh(core_axis_name="c", subcore_axis_name="s")

    @functools.partial(
        pl.kernel,
        mesh=mesh,
        out_type=jax.ShapeDtypeStruct((SEQ * B, D), jnp.float32),
        scratch_types=[
            pltpu.VMEM((NSLOT, CK), jnp.int32),
            pltpu.VMEM((NSLOT, CK, D), jnp.float32),
            pltpu.VMEM((BPW,), jnp.int32),
            pltpu.VMEM((BPW, D), jnp.float32),
        ] + [pltpu.SemaphoreType.DMA] * (1 + 3 * NSLOT),
    )
    def sc_gather(ids_t_hbm, pids_hbm, table_hbm, sparse_hbm, out_hbm,
                  idx_v, rows_v, pid_v, prow_v, psem, *sems):
        isem = sems[0:NSLOT]
        gsem = sems[NSLOT:2 * NSLOT]
        osem = sems[2 * NSLOT:3 * NSLOT]
        wid = lax.axis_index("s") * NC + lax.axis_index("c")
        base = wid * BPW
        u0 = wid * UNITS

        pltpu.sync_copy(pids_hbm.at[pl.ds(base, BPW)], pid_v)
        pltpu.async_copy(sparse_hbm.at[pid_v], prow_v, psem).wait()

        def scale_prow(i, carry):
            for j in range(D // L):
                prow_v[i, pl.ds(j * L, L)] = prow_v[i, pl.ds(j * L, L)] * SCALE
            return carry

        lax.fori_loop(0, BPW, scale_prow, 0)
        pltpu.sync_copy(prow_v, out_hbm.at[pl.ds(base, BPW)])

        def issue_idx(t, slot):
            u = u0 + t
            s = u // NCHUNK
            c = u % NCHUNK
            pltpu.async_copy(ids_t_hbm.at[s, pl.ds(c * CK, CK)],
                             idx_v.at[slot], isem[slot])

        def wait_idx(slot):
            pltpu.make_async_copy(ids_t_hbm.at[0, pl.ds(0, CK)],
                                  idx_v.at[slot], isem[slot]).wait()

        def issue_gather(slot):
            pltpu.async_copy(table_hbm.at[idx_v.at[slot]],
                             rows_v.at[slot], gsem[slot])

        def wait_gather(slot):
            pltpu.make_async_copy(table_hbm.at[idx_v.at[slot]],
                                  rows_v.at[slot], gsem[slot]).wait()

        def scale_rows(slot):
            def srow(r, carry):
                for j in range(D // L):
                    rows_v[slot, r, pl.ds(j * L, L)] = (
                        rows_v[slot, r, pl.ds(j * L, L)] * SCALE)
                return carry
            lax.fori_loop(0, CK, srow, 0)

        def issue_out(t, slot):
            off = pl.multiple_of(B + (u0 + t) * CK, CK)
            pltpu.async_copy(rows_v.at[slot], out_hbm.at[pl.ds(off, CK)],
                             osem[slot])

        def wait_out(slot):
            pltpu.make_async_copy(rows_v.at[slot],
                                  out_hbm.at[pl.ds(0, CK)],
                                  osem[slot]).wait()

        for k in range(NSLOT - 1):
            issue_idx(k, k)
        for k in range(NSLOT - 2):
            wait_idx(k)
            issue_gather(k)

        def body(i4, carry):
            for p in range(NSLOT):
                t = i4 * NSLOT + p
                q = (p + NSLOT - 2) % NSLOT
                r = (p + NSLOT - 1) % NSLOT
                wait_gather(p)
                scale_rows(p)
                issue_out(t, p)

                @pl.when(t + NSLOT - 1 < UNITS)
                def _():
                    issue_idx(t + NSLOT - 1, r)

                @pl.when(t + NSLOT - 2 < UNITS)
                def _():
                    @pl.when(t >= 2)
                    def _():
                        wait_out(q)
                    wait_idx(q)
                    issue_gather(q)
            return carry

        lax.fori_loop(0, UNITS // NSLOT, body, 0)
        for t in range(NSLOT):
            wait_out((UNITS - NSLOT + t) % NSLOT)

    return sc_gather


_sc_gather = _make_sc_gather()


def kernel(input_ids, puzzle_identifiers, emb_table, sparse_table):
    ids_t = input_ids.T
    flat = _sc_gather(ids_t, puzzle_identifiers, emb_table, sparse_table)
    return flat.reshape(SEQ, B, D).swapaxes(0, 1)

# --- scband reference (transcript-rebuilt; emitter-appended) ---
"""Pipeline reference for scband-puzzle-embedding-90048284327997 (READ-ONLY COPY).

The authoritative reference and input builder live on the scoring server;
editing this copy changes nothing except your own understanding.
"""

import jax, jax.numpy as jnp
import numpy as np
import math

VOCAB = 100000
D = 128
B = 4096
S = 200
N_PUZZLE_TOKENS = 1


def setup_inputs(seed: int = 0) -> dict:
    key = jax.random.key(seed)
    k1, k2, k3 = jax.random.split(key, 3)
    input_ids = jax.random.randint(k1, (B, S), 0, VOCAB, dtype=jnp.int64 if jax.config.jax_enable_x64 else jnp.int32)
    puzzle_identifiers = jax.random.randint(k2, (B,), 0, VOCAB, dtype=jnp.int64 if jax.config.jax_enable_x64 else jnp.int32)
    # puzzle_embedding.weight: trunc_normal init with std = 1/sqrt(d_hidden)
    scale = 1.0 / math.sqrt(D)
    emb_table = jnp.clip(jax.random.normal(k3, (VOCAB, D), dtype=jnp.float32) * scale, -2.0 * scale, 2.0 * scale)
    # SparseEmbedding.weights: init_std=0.0 -> zeros
    sparse_table = jnp.zeros((VOCAB, D), dtype=jnp.float32)
    return {
        "input_ids": input_ids,
        "puzzle_identifiers": puzzle_identifiers,
        "emb_table": emb_table,
        "sparse_table": sparse_table,
    }


def reference(input_ids, puzzle_identifiers, emb_table, sparse_table):
    # embeddings = puzzle_embedding(input_ids) -> gather
    embeddings = jnp.take(emb_table, input_ids, axis=0)  # [B, S, D]
    # sparse_latent_puzzle_embedding (eval path): weights[inputs]
    latent = jnp.take(sparse_table, puzzle_identifiers, axis=0)  # [B, D]
    # pad_count = n_puzzle_embedding_tokens * d_hidden - D = 0 for n_tokens=1
    pad_count = N_PUZZLE_TOKENS * D - latent.shape[-1]
    if pad_count > 0:
        latent = jnp.pad(latent, ((0, 0), (0, pad_count)))
    latent = latent.reshape(-1, N_PUZZLE_TOKENS, D)  # [B, 1, D]
    out = jnp.concatenate((latent, embeddings), axis=-2)  # [B, 1+S, D]
    scale = 1.0 / math.sqrt(D)
    return out * scale

if __name__ == "__main__":
    import jax
    _d = setup_inputs()
    print(jax.jit(kernel)(*tuple(_d.values())))

</pallas_src>

<mosaic_0001>
#map = affine_map<(d0, d1) -> (0, 0)>
#map1 = affine_map<(d0, d1) -> (0)>
module attributes {stable_mosaic.version = 14 : i64} {
  func.func @sc_gather(%arg0: i32, %arg1: i32, %arg2: memref<200x4096xi32, #tpu.memory_space<hbm>>, %arg3: memref<4096xi32, #tpu.memory_space<hbm>>, %arg4: memref<100000x128xf32, #tpu.memory_space<hbm>>, %arg5: memref<100000x128xf32, #tpu.memory_space<hbm>>, %arg6: memref<823296x128xf32, #tpu.memory_space<hbm>>, %arg7: memref<4x128xi32, #tpu.memory_space<vmem>>, %arg8: memref<4x128x128xf32, #tpu.memory_space<vmem>>, %arg9: memref<128xi32, #tpu.memory_space<vmem>>, %arg10: memref<128x128xf32, #tpu.memory_space<vmem>>, %arg11: memref<!tpu.dma_semaphore, #tpu.memory_space<semaphore_mem>>, %arg12: memref<!tpu.dma_semaphore, #tpu.memory_space<semaphore_mem>>, %arg13: memref<!tpu.dma_semaphore, #tpu.memory_space<semaphore_mem>>, %arg14: memref<!tpu.dma_semaphore, #tpu.memory_space<semaphore_mem>>, %arg15: memref<!tpu.dma_semaphore, #tpu.memory_space<semaphore_mem>>, %arg16: memref<!tpu.dma_semaphore, #tpu.memory_space<semaphore_mem>>, %arg17: memref<!tpu.dma_semaphore, #tpu.memory_space<semaphore_mem>>, %arg18: memref<!tpu.dma_semaphore, #tpu.memory_space<semaphore_mem>>, %arg19: memref<!tpu.dma_semaphore, #tpu.memory_space<semaphore_mem>>, %arg20: memref<!tpu.dma_semaphore, #tpu.memory_space<semaphore_mem>>, %arg21: memref<!tpu.dma_semaphore, #tpu.memory_space<semaphore_mem>>, %arg22: memref<!tpu.dma_semaphore, #tpu.memory_space<semaphore_mem>>, %arg23: memref<!tpu.dma_semaphore, #tpu.memory_space<semaphore_mem>>) attributes {dimension_semantics = [#tpu.dimension_semantics<core_parallel>, #tpu.dimension_semantics<subcore_parallel>], iteration_bounds = array<i64: 2, 16>, scalar_prefetch = 0 : i64, scratch_operands = 17 : i64, tpu.core_type = #tpu.core_type<sc_vector_subcore>, window_params = [{transform_indices = #map}, {transform_indices = #map1}, {transform_indices = #map}, {transform_indices = #map}, {transform_indices = #map}]} {
    %mul3A = arith.constant 2 : i32
    %mul3A_0 = arith.muli %arg1, %mul3A : i32
    %add3A = arith.addi %mul3A_0, %arg0 : i32
    %mul3A_1 = arith.constant 128 : i32
    %mul3A_2 = arith.muli %add3A, %mul3A_1 : i32
    %mul3A_3 = arith.constant 200 : i32
    %mul3A_4 = arith.muli %add3A, %mul3A_3 : i32
    "tpu.region"() ({
      %run_scoped3A = tpu.sem_alloc : memref<!tpu.dma_semaphore, #tpu.memory_space<semaphore_mem>>
      %dma_start3A_287 = tpu.memref_slice %arg3[%mul3A_2] : memref<4096xi32, #tpu.memory_space<hbm>> -> memref<128xi32, #tpu.memory_space<hbm>>
      %dma_start3A_288 = tpu.memref_slice %arg3[%mul3A_2] : memref<4096xi32, #tpu.memory_space<hbm>> -> memref<128xi32, #tpu.memory_space<hbm>>
      tpu.enqueue_dma source(%dma_start3A_288 : memref<128xi32, #tpu.memory_space<hbm>>) target(%arg9 : memref<128xi32, #tpu.memory_space<vmem>>) target_semaphore(%run_scoped3A : memref<!tpu.dma_semaphore, #tpu.memory_space<semaphore_mem>>)
      %dma_wait3A_289 = tpu.memref_slice %arg3[%mul3A_2] : memref<4096xi32, #tpu.memory_space<hbm>> -> memref<128xi32, #tpu.memory_space<hbm>>
      %dma_wait3A_290 = tpu.memref_slice %arg3[%mul3A_2] : memref<4096xi32, #tpu.memory_space<hbm>> -> memref<128xi32, #tpu.memory_space<hbm>>
      tpu.wait_dma2 semaphore(%run_scoped3A : memref<!tpu.dma_semaphore, #tpu.memory_space<semaphore_mem>>) src(%dma_wait3A_290 : memref<128xi32, #tpu.memory_space<hbm>>) dst(%arg9 : memref<128xi32, #tpu.memory_space<vmem>>)
      tpu.yield
    }) : () -> ()
    %dma_start3A = arith.constant 0 : i32
    %dma_start3A_5 = arith.constant 0 : i32
    %dma_start3A_6 = tpu.memref_slice %arg5[%dma_start3A, %dma_start3A_5] : memref<100000x128xf32, #tpu.memory_space<hbm>> -> memref<100000x128xf32, #tpu.memory_space<hbm>>
    tpu.enqueue_indirect_dma source(%dma_start3A_6 : memref<100000x128xf32, #tpu.memory_space<hbm>>) target(%arg10 : memref<128x128xf32, #tpu.memory_space<vmem>>) offsets(%arg9 : memref<128xi32, #tpu.memory_space<vmem>>) semaphore(%arg11 : memref<!tpu.dma_semaphore, #tpu.memory_space<semaphore_mem>>)
    %dma_wait3A = arith.constant 0 : i32
    %dma_wait3A_7 = arith.constant 0 : i32
    %dma_wait3A_8 = tpu.memref_slice %arg5[%dma_wait3A, %dma_wait3A_7] : memref<100000x128xf32, #tpu.memory_space<hbm>> -> memref<100000x128xf32, #tpu.memory_space<hbm>>
    tpu.wait_indirect_dma semaphore(%arg11 : memref<!tpu.dma_semaphore, #tpu.memory_space<semaphore_mem>>) src(%dma_wait3A_8 : memref<100000x128xf32, #tpu.memory_space<hbm>>) dst(%arg10 : memref<128x128xf32, #tpu.memory_space<vmem>>)
    %scan3A = arith.constant 0 : i32
    %scan3A_9 = arith.constant 0 : i32
    %scan3A_10 = arith.constant 128 : i32
    %scan3A_11 = arith.addi %scan3A_9, %scan3A_10 : i32
    %scan3A_12 = arith.constant 1 : i32
    scf.for %scan3A_287 = %scan3A_9 to %scan3A_11 step %scan3A_12  : i32 {
      %get3A = arith.index_cast %scan3A_287 : i32 to index
      %get3A_288 = arith.constant 0 : index
      %get3A_289 = tpu.vector_load %arg10[%get3A, %get3A_288] {strides = array<i32>} : memref<128x128xf32, #tpu.memory_space<vmem>>, vector<1x16xf32>,
      %get3A_290 = vector.shape_cast %get3A_289 : vector<1x16xf32> to vector<16xf32>
      %mul3A_291 = arith.constant 0.0883883461 : f32
      %mul3A_292 = vector.broadcast %mul3A_291 : f32 to vector<16xf32>
      %mul3A_293 = arith.mulf %get3A_290, %mul3A_292 : vector<16xf32>
      %swap3A = arith.index_cast %scan3A_287 : i32 to index
      %swap3A_294 = arith.constant 0 : index
      %swap3A_295 = tpu.vector_load %arg10[%swap3A, %swap3A_294] {strides = array<i32>} : memref<128x128xf32, #tpu.memory_space<vmem>>, vector<1x16xf32>,
      %swap3A_296 = vector.shape_cast %swap3A_295 : vector<1x16xf32> to vector<16xf32>
      %swap3A_297 = vector.shape_cast %mul3A_293 : vector<16xf32> to vector<1x16xf32>
      tpu.vector_store %arg10[%swap3A, %swap3A_294], %swap3A_297 {strides = array<i32>} : memref<128x128xf32, #tpu.memory_space<vmem>>, vector<1x16xf32>,
      %get3A_298 = arith.index_cast %scan3A_287 : i32 to index
      %get3A_299 = arith.constant 16 : index
      %get3A_300 = tpu.vector_load %arg10[%get3A_298, %get3A_299] {strides = array<i32>} : memref<128x128xf32, #tpu.memory_space<vmem>>, vector<1x16xf32>,
      %get3A_301 = vector.shape_cast %get3A_300 : vector<1x16xf32> to vector<16xf32>
      %mul3A_302 = arith.constant 0.0883883461 : f32
      %mul3A_303 = vector.broadcast %mul3A_302 : f32 to vector<16xf32>
      %mul3A_304 = arith.mulf %get3A_301, %mul3A_303 : vector<16xf32>
      %swap3A_305 = arith.index_cast %scan3A_287 : i32 to index
      %swap3A_306 = arith.constant 16 : index
      %swap3A_307 = tpu.vector_load %arg10[%swap3A_305, %swap3A_306] {strides = array<i32>} : memref<128x128xf32, #tpu.memory_space<vmem>>, vector<1x16xf32>,
      %swap3A_308 = vector.shape_cast %swap3A_307 : vector<1x16xf32> to vector<16xf32>
      %swap3A_309 = vector.shape_cast %mul3A_304 : vector<16xf32> to vector<1x16xf32>
      tpu.vector_store %arg10[%swap3A_305, %swap3A_306], %swap3A_309 {strides = array<i32>} : memref<128x128xf32, #tpu.memory_space<vmem>>, vector<1x16xf32>,
      %get3A_310 = arith.index_cast %scan3A_287 : i32 to index
      %get3A_311 = arith.constant 32 : index
      %get3A_312 = tpu.vector_load %arg10[%get3A_310, %get3A_311] {strides = array<i32>} : memref<128x128xf32, #tpu.memory_space<vmem>>, vector<1x16xf32>,
      %get3A_313 = vector.shape_cast %get3A_312 : vector<1x16xf32> to vector<16xf32>
      %mul3A_314 = arith.constant 0.0883883461 : f32
      %mul3A_315 = vector.broadcast %mul3A_314 : f32 to vector<16xf32>
      %mul3A_316 = arith.mulf %get3A_313, %mul3A_315 : vector<16xf32>
      %swap3A_317 = arith.index_cast %scan3A_287 : i32 to index
      %swap3A_318 = arith.constant 32 : index
      %swap3A_319 = tpu.vector_load %arg10[%swap3A_317, %swap3A_318] {strides = array<i32>} : memref<128x128xf32, #tpu.memory_space<vmem>>, vector<1x16xf32>,
      %swap3A_320 = vector.shape_cast %swap3A_319 : vector<1x16xf32> to vector<16xf32>
      %swap3A_321 = vector.shape_cast %mul3A_316 : vector<16xf32> to vector<1x16xf32>
      tpu.vector_store %arg10[%swap3A_317, %swap3A_318], %swap3A_321 {strides = array<i32>} : memref<128x128xf32, #tpu.memory_space<vmem>>, vector<1x16xf32>,
      %get3A_322 = arith.index_cast %scan3A_287 : i32 to index
      %get3A_323 = arith.constant 48 : index
      %get3A_324 = tpu.vector_load %arg10[%get3A_322, %get3A_323] {strides = array<i32>} : memref<128x128xf32, #tpu.memory_space<vmem>>, vector<1x16xf32>,
      %get3A_325 = vector.shape_cast %get3A_324 : vector<1x16xf32> to vector<16xf32>
      %mul3A_326 = arith.constant 0.0883883461 : f32
      %mul3A_327 = vector.broadcast %mul3A_326 : f32 to vector<16xf32>
      %mul3A_328 = arith.mulf %get3A_325, %mul3A_327 : vector<16xf32>
      %swap3A_329 = arith.index_cast %scan3A_287 : i32 to index
      %swap3A_330 = arith.constant 48 : index
      %swap3A_331 = tpu.vector_load %arg10[%swap3A_329, %swap3A_330] {strides = array<i32>} : memref<128x128xf32, #tpu.memory_space<vmem>>, vector<1x16xf32>,
      %swap3A_332 = vector.shape_cast %swap3A_331 : vector<1x16xf32> to vector<16xf32>
      %swap3A_333 = vector.shape_cast %mul3A_328 : vector<16xf32> to vector<1x16xf32>
      tpu.vector_store %arg10[%swap3A_329, %swap3A_330], %swap3A_333 {strides = array<i32>} : memref<128x128xf32, #tpu.memory_space<vmem>>, vector<1x16xf32>,
      %get3A_334 = arith.index_cast %scan3A_287 : i32 to index
      %get3A_335 = arith.constant 64 : index
      %get3A_336 = tpu.vector_load %arg10[%get3A_334, %get3A_335] {strides = array<i32>} : memref<128x128xf32, #tpu.memory_space<vmem>>, vector<1x16xf32>,
      %get3A_337 = vector.shape_cast %get3A_336 : vector<1x16xf32> to vector<16xf32>
      %mul3A_338 = arith.constant 0.0883883461 : f32
      %mul3A_339 = vector.broadcast %mul3A_338 : f32 to vector<16xf32>
      %mul3A_340 = arith.mulf %get3A_337, %mul3A_339 : vector<16xf32>
      %swap3A_341 = arith.index_cast %scan3A_287 : i32 to index
      %swap3A_342 = arith.constant 64 : index
      %swap3A_343 = tpu.vector_load %arg10[%swap3A_341, %swap3A_342] {strides = array<i32>} : memref<128x128xf32, #tpu.memory_space<vmem>>, vector<1x16xf32>,
      %swap3A_344 = vector.shape_cast %swap3A_343 : vector<1x16xf32> to vector<16xf32>
      %swap3A_345 = vector.shape_cast %mul3A_340 : vector<16xf32> to vector<1x16xf32>
      tpu.vector_store %arg10[%swap3A_341, %swap3A_342], %swap3A_345 {strides = array<i32>} : memref<128x128xf32, #tpu.memory_space<vmem>>, vector<1x16xf32>,
      %get3A_346 = arith.index_cast %scan3A_287 : i32 to index
      %get3A_347 = arith.constant 80 : index
      %get3A_348 = tpu.vector_load %arg10[%get3A_346, %get3A_347] {strides = array<i32>} : memref<128x128xf32, #tpu.memory_space<vmem>>, vector<1x16xf32>,
      %get3A_349 = vector.shape_cast %get3A_348 : vector<1x16xf32> to vector<16xf32>
      %mul3A_350 = arith.constant 0.0883883461 : f32
      %mul3A_351 = vector.broadcast %mul3A_350 : f32 to vector<16xf32>
      %mul3A_352 = arith.mulf %get3A_349, %mul3A_351 : vector<16xf32>
      %swap3A_353 = arith.index_cast %scan3A_287 : i32 to index
      %swap3A_354 = arith.constant 80 : index
      %swap3A_355 = tpu.vector_load %arg10[%swap3A_353, %swap3A_354] {strides = array<i32>} : memref<128x128xf32, #tpu.memory_space<vmem>>, vector<1x16xf32>,
      %swap3A_356 = vector.shape_cast %swap3A_355 : vector<1x16xf32> to vector<16xf32>
      %swap3A_357 = vector.shape_cast %mul3A_352 : vector<16xf32> to vector<1x16xf32>
      tpu.vector_store %arg10[%swap3A_353, %swap3A_354], %swap3A_357 {strides = array<i32>} : memref<128x128xf32, #tpu.memory_space<vmem>>, vector<1x16xf32>,
      %get3A_358 = arith.index_cast %scan3A_287 : i32 to index
      %get3A_359 = arith.constant 96 : index
      %get3A_360 = tpu.vector_load %arg10[%get3A_358, %get3A_359] {strides = array<i32>} : memref<128x128xf32, #tpu.memory_space<vmem>>, vector<1x16xf32>,
      %get3A_361 = vector.shape_cast %get3A_360 : vector<1x16xf32> to vector<16xf32>
      %mul3A_362 = arith.constant 0.0883883461 : f32
      %mul3A_363 = vector.broadcast %mul3A_362 : f32 to vector<16xf32>
      %mul3A_364 = arith.mulf %get3A_361, %mul3A_363 : vector<16xf32>
      %swap3A_365 = arith.index_cast %scan3A_287 : i32 to index
      %swap3A_366 = arith.constant 96 : index
      %swap3A_367 = tpu.vector_load %arg10[%swap3A_365, %swap3A_366] {strides = array<i32>} : memref<128x128xf32, #tpu.memory_space<vmem>>, vector<1x16xf32>,
      %swap3A_368 = vector.shape_cast %swap3A_367 : vector<1x16xf32> to vector<16xf32>
      %swap3A_369 = vector.shape_cast %mul3A_364 : vector<16xf32> to vector<1x16xf32>
      tpu.vector_store %arg10[%swap3A_365, %swap3A_366], %swap3A_369 {strides = array<i32>} : memref<128x128xf32, #tpu.memory_space<vmem>>, vector<1x16xf32>,
      %get3A_370 = arith.index_cast %scan3A_287 : i32 to index
      %get3A_371 = arith.constant 112 : index
      %get3A_372 = tpu.vector_load %arg10[%get3A_370, %get3A_371] {strides = array<i32>} : memref<128x128xf32, #tpu.memory_space<vmem>>, vector<1x16xf32>,
      %get3A_373 = vector.shape_cast %get3A_372 : vector<1x16xf32> to vector<16xf32>
      %mul3A_374 = arith.constant 0.0883883461 : f32
      %mul3A_375 = vector.broadcast %mul3A_374 : f32 to vector<16xf32>
      %mul3A_376 = arith.mulf %get3A_373, %mul3A_375 : vector<16xf32>
      %swap3A_377 = arith.index_cast %scan3A_287 : i32 to index
      %swap3A_378 = arith.constant 112 : index
      %swap3A_379 = tpu.vector_load %arg10[%swap3A_377, %swap3A_378] {strides = array<i32>} : memref<128x128xf32, #tpu.memory_space<vmem>>, vector<1x16xf32>,
      %swap3A_380 = vector.shape_cast %swap3A_379 : vector<1x16xf32> to vector<16xf32>
      %swap3A_381 = vector.shape_cast %mul3A_376 : vector<16xf32> to vector<1x16xf32>
      tpu.vector_store %arg10[%swap3A_377, %swap3A_378], %swap3A_381 {strides = array<i32>} : memref<128x128xf32, #tpu.memory_space<vmem>>, vector<1x16xf32>,
    }
    %scan3A_13 = arith.constant 128 : i32
    "tpu.region"() ({
      %run_scoped3A = tpu.sem_alloc : memref<!tpu.dma_semaphore, #tpu.memory_space<semaphore_mem>>
      %dma_start3A_287 = arith.constant 0 : i32
      %dma_start3A_288 = tpu.memref_slice %arg6[%mul3A_2, %dma_start3A_287] : memref<823296x128xf32, #tpu.memory_space<hbm>> -> memref<128x128xf32, #tpu.memory_space<hbm>>
      %dma_start3A_289 = arith.constant 0 : i32
      %dma_start3A_290 = tpu.memref_slice %arg6[%mul3A_2, %dma_start3A_289] : memref<823296x128xf32, #tpu.memory_space<hbm>> -> memref<128x128xf32, #tpu.memory_space<hbm>>
      tpu.enqueue_dma source(%arg10 : memref<128x128xf32, #tpu.memory_space<vmem>>) target(%dma_start3A_290 : memref<128x128xf32, #tpu.memory_space<hbm>>) target_semaphore(%run_scoped3A : memref<!tpu.dma_semaphore, #tpu.memory_space<semaphore_mem>>)
      %dma_wait3A_291 = arith.constant 0 : i32
      %dma_wait3A_292 = tpu.memref_slice %arg6[%mul3A_2, %dma_wait3A_291] : memref<823296x128xf32, #tpu.memory_space<hbm>> -> memref<128x128xf32, #tpu.memory_space<hbm>>
      %dma_wait3A_293 = arith.constant 0 : i32
      %dma_wait3A_294 = tpu.memref_slice %arg6[%mul3A_2, %dma_wait3A_293] : memref<823296x128xf32, #tpu.memory_space<hbm>> -> memref<128x128xf32, #tpu.memory_space<hbm>>
      tpu.wait_dma2 semaphore(%run_scoped3A : memref<!tpu.dma_semaphore, #tpu.memory_space<semaphore_mem>>) src(%arg10 : memref<128x128xf32, #tpu.memory_space<vmem>>) dst(%dma_wait3A_294 : memref<128x128xf32, #tpu.memory_space<hbm>>)
      tpu.yield
    }) : () -> ()
    %add3A_14 = arith.constant 0 : i32
    %add3A_15 = arith.addi %mul3A_4, %add3A_14 : i32
    %jit3A = arith.constant 32 : i32
    %div3A = arith.divsi %add3A_15, %jit3A : i32
    %sign3A = arith.constant 0 : i32
    %sign3A_16 = arith.cmpi sgt, %add3A_15, %sign3A : i32
    %sign3A_17 = arith.extui %sign3A_16 : i1 to i32
    %sign3A_18 = arith.constant 0 : i32
    %sign3A_19 = arith.cmpi slt, %add3A_15, %sign3A_18 : i32
    %sign3A_20 = arith.extui %sign3A_19 : i1 to i32
    %sign3A_21 = arith.subi %sign3A_17, %sign3A_20 : i32
    %sign3A_22 = arith.constant 0 : i32
    %sign3A_23 = arith.cmpi sgt, %jit3A, %sign3A_22 : i32
    %sign3A_24 = arith.extui %sign3A_23 : i1 to i32
    %sign3A_25 = arith.constant 0 : i32
    %sign3A_26 = arith.cmpi slt, %jit3A, %sign3A_25 : i32
    %sign3A_27 = arith.extui %sign3A_26 : i1 to i32
    %sign3A_28 = arith.subi %sign3A_24, %sign3A_27 : i32
    %ne3A = arith.cmpi ne, %sign3A_21, %sign3A_28 : i32
    %rem3A = arith.remsi %add3A_15, %jit3A : i32
    %ne3A_29 = arith.constant 0 : i32
    %ne3A_30 = arith.cmpi ne, %rem3A, %ne3A_29 : i32
    %and3A = arith.andi %ne3A, %ne3A_30 : i1
    %sub3A = arith.constant 1 : i32
    %sub3A_31 = arith.subi %div3A, %sub3A : i32
    %select_n3A = arith.select %and3A, %sub3A_31, %div3A : i32
    %jit3A_32 = arith.constant 32 : i32
    %eq3A = arith.constant 0 : i32
    %eq3A_33 = arith.cmpi eq, %jit3A_32, %eq3A : i32
    %jit3A_34 = arith.constant 1 : i32
    %select_n3A_35 = arith.select %eq3A_33, %jit3A_34, %jit3A_32 : i32
    %rem3A_36 = arith.remsi %add3A_15, %select_n3A_35 : i32
    %ne3A_37 = arith.constant 0 : i32
    %ne3A_38 = arith.cmpi ne, %rem3A_36, %ne3A_37 : i32
    %lt3A = arith.constant 0 : i32
    %lt3A_39 = arith.cmpi slt, %rem3A_36, %lt3A : i32
    %lt3A_40 = arith.constant 0 : i32
    %lt3A_41 = arith.cmpi slt, %select_n3A_35, %lt3A_40 : i32
    %ne3A_42 = arith.xori %lt3A_39, %lt3A_41 : i1
    %and3A_43 = arith.andi %ne3A_42, %ne3A_38 : i1
    %add3A_44 = arith.addi %rem3A_36, %select_n3A_35 : i32
    %select_n3A_45 = arith.select %and3A_43, %add3A_44, %rem3A_36 : i32
    %mul3A_46 = arith.constant 128 : i32
    %mul3A_47 = arith.muli %select_n3A_45, %mul3A_46 : i32
    %dma_start3A_48 = arith.constant 0 : i32
    %dma_start3A_49 = arith.constant 0 : i32
    %dma_start3A_50 = tpu.memref_slice %arg7[%dma_start3A_48, %dma_start3A_49] : memref<4x128xi32, #tpu.memory_space<vmem>> -> memref<1x128xi32, #tpu.memory_space<vmem>>
    %dma_start3A_51 = tpu.memref_squeeze %dma_start3A_50 : memref<1x128xi32, #tpu.memory_space<vmem>> -> memref<128xi32, #tpu.memory_space<vmem>>
    %dma_start3A_52 = tpu.memref_slice %arg2[%select_n3A, %mul3A_47] : memref<200x4096xi32, #tpu.memory_space<hbm>> -> memref<1x128xi32, #tpu.memory_space<hbm>>
    %dma_start3A_53 = tpu.memref_squeeze %dma_start3A_52 : memref<1x128xi32, #tpu.memory_space<hbm>> -> memref<128xi32, #tpu.memory_space<hbm>>
    %dma_start3A_54 = arith.constant 0 : i32
    %dma_start3A_55 = tpu.memref_slice %arg7[%dma_start3A_48, %dma_start3A_54] : memref<4x128xi32, #tpu.memory_space<vmem>> -> memref<1x128xi32, #tpu.memory_space<vmem>>
    %dma_start3A_56 = tpu.memref_squeeze %dma_start3A_55 : memref<1x128xi32, #tpu.memory_space<vmem>> -> memref<128xi32, #tpu.memory_space<vmem>>
    %dma_start3A_57 = tpu.memref_slice %arg2[%select_n3A, %mul3A_47] : memref<200x4096xi32, #tpu.memory_space<hbm>> -> memref<1x128xi32, #tpu.memory_space<hbm>>
    %dma_start3A_58 = tpu.memref_squeeze %dma_start3A_57 : memref<1x128xi32, #tpu.memory_space<hbm>> -> memref<128xi32, #tpu.memory_space<hbm>>
    tpu.enqueue_dma source(%dma_start3A_58 : memref<128xi32, #tpu.memory_space<hbm>>) target(%dma_start3A_56 : memref<128xi32, #tpu.memory_space<vmem>>) target_semaphore(%arg12 : memref<!tpu.dma_semaphore, #tpu.memory_space<semaphore_mem>>)
    %add3A_59 = arith.constant 1 : i32
    %add3A_60 = arith.addi %mul3A_4, %add3A_59 : i32
    %jit3A_61 = arith.constant 32 : i32
    %div3A_62 = arith.divsi %add3A_60, %jit3A_61 : i32
    %sign3A_63 = arith.constant 0 : i32
    %sign3A_64 = arith.cmpi sgt, %add3A_60, %sign3A_63 : i32
    %sign3A_65 = arith.extui %sign3A_64 : i1 to i32
    %sign3A_66 = arith.constant 0 : i32
    %sign3A_67 = arith.cmpi slt, %add3A_60, %sign3A_66 : i32
    %sign3A_68 = arith.extui %sign3A_67 : i1 to i32
    %sign3A_69 = arith.subi %sign3A_65, %sign3A_68 : i32
    %sign3A_70 = arith.constant 0 : i32
    %sign3A_71 = arith.cmpi sgt, %jit3A_61, %sign3A_70 : i32
    %sign3A_72 = arith.extui %sign3A_71 : i1 to i32
    %sign3A_73 = arith.constant 0 : i32
    %sign3A_74 = arith.cmpi slt, %jit3A_61, %sign3A_73 : i32
    %sign3A_75 = arith.extui %sign3A_74 : i1 to i32
    %sign3A_76 = arith.subi %sign3A_72, %sign3A_75 : i32
    %ne3A_77 = arith.cmpi ne, %sign3A_69, %sign3A_76 : i32
    %rem3A_78 = arith.remsi %add3A_60, %jit3A_61 : i32
    %ne3A_79 = arith.constant 0 : i32
    %ne3A_80 = arith.cmpi ne, %rem3A_78, %ne3A_79 : i32
    %and3A_81 = arith.andi %ne3A_77, %ne3A_80 : i1
    %sub3A_82 = arith.constant 1 : i32
    %sub3A_83 = arith.subi %div3A_62, %sub3A_82 : i32
    %select_n3A_84 = arith.select %and3A_81, %sub3A_83, %div3A_62 : i32
    %jit3A_85 = arith.constant 32 : i32
    %eq3A_86 = arith.constant 0 : i32
    %eq3A_87 = arith.cmpi eq, %jit3A_85, %eq3A_86 : i32
    %jit3A_88 = arith.constant 1 : i32
    %select_n3A_89 = arith.select %eq3A_87, %jit3A_88, %jit3A_85 : i32
    %rem3A_90 = arith.remsi %add3A_60, %select_n3A_89 : i32
    %ne3A_91 = arith.constant 0 : i32
    %ne3A_92 = arith.cmpi ne, %rem3A_90, %ne3A_91 : i32
    %lt3A_93 = arith.constant 0 : i32
    %lt3A_94 = arith.cmpi slt, %rem3A_90, %lt3A_93 : i32
    %lt3A_95 = arith.constant 0 : i32
    %lt3A_96 = arith.cmpi slt, %select_n3A_89, %lt3A_95 : i32
    %ne3A_97 = arith.xori %lt3A_94, %lt3A_96 : i1
    %and3A_98 = arith.andi %ne3A_97, %ne3A_92 : i1
    %add3A_99 = arith.addi %rem3A_90, %select_n3A_89 : i32
    %select_n3A_100 = arith.select %and3A_98, %add3A_99, %rem3A_90 : i32
    %mul3A_101 = arith.constant 128 : i32
    %mul3A_102 = arith.muli %select_n3A_100, %mul3A_101 : i32
    %dma_start3A_103 = arith.constant 1 : i32
    %dma_start3A_104 = arith.constant 0 : i32
    %dma_start3A_105 = tpu.memref_slice %arg7[%dma_start3A_103, %dma_start3A_104] : memref<4x128xi32, #tpu.memory_space<vmem>> -> memref<1x128xi32, #tpu.memory_space<vmem>>
    %dma_start3A_106 = tpu.memref_squeeze %dma_start3A_105 : memref<1x128xi32, #tpu.memory_space<vmem>> -> memref<128xi32, #tpu.memory_space<vmem>>
    %dma_start3A_107 = tpu.memref_slice %arg2[%select_n3A_84, %mul3A_102] : memref<200x4096xi32, #tpu.memory_space<hbm>> -> memref<1x128xi32, #tpu.memory_space<hbm>>
    %dma_start3A_108 = tpu.memref_squeeze %dma_start3A_107 : memref<1x128xi32, #tpu.memory_space<hbm>> -> memref<128xi32, #tpu.memory_space<hbm>>
    %dma_start3A_109 = arith.constant 0 : i32
    %dma_start3A_110 = tpu.memref_slice %arg7[%dma_start3A_103, %dma_start3A_109] : memref<4x128xi32, #tpu.memory_space<vmem>> -> memref<1x128xi32, #tpu.memory_space<vmem>>
    %dma_start3A_111 = tpu.memref_squeeze %dma_start3A_110 : memref<1x128xi32, #tpu.memory_space<vmem>> -> memref<128xi32, #tpu.memory_space<vmem>>
    %dma_start3A_112 = tpu.memref_slice %arg2[%select_n3A_84, %mul3A_102] : memref<200x4096xi32, #tpu.memory_space<hbm>> -> memref<1x128xi32, #tpu.memory_space<hbm>>
    %dma_start3A_113 = tpu.memref_squeeze %dma_start3A_112 : memref<1x128xi32, #tpu.memory_space<hbm>> -> memref<128xi32, #tpu.memory_space<hbm>>
    tpu.enqueue_dma source(%dma_start3A_113 : memref<128xi32, #tpu.memory_space<hbm>>) target(%dma_start3A_111 : memref<128xi32, #tpu.memory_space<vmem>>) target_semaphore(%arg13 : memref<!tpu.dma_semaphore, #tpu.memory_space<semaphore_mem>>)
    %add3A_114 = arith.constant 2 : i32
    %add3A_115 = arith.addi %mul3A_4, %add3A_114 : i32
    %jit3A_116 = arith.constant 32 : i32
    %div3A_117 = arith.divsi %add3A_115, %jit3A_116 : i32
    %sign3A_118 = arith.constant 0 : i32
    %sign3A_119 = arith.cmpi sgt, %add3A_115, %sign3A_118 : i32
    %sign3A_120 = arith.extui %sign3A_119 : i1 to i32
    %sign3A_121 = arith.constant 0 : i32
    %sign3A_122 = arith.cmpi slt, %add3A_115, %sign3A_121 : i32
    %sign3A_123 = arith.extui %sign3A_122 : i1 to i32
    %sign3A_124 = arith.subi %sign3A_120, %sign3A_123 : i32
    %sign3A_125 = arith.constant 0 : i32
    %sign3A_126 = arith.cmpi sgt, %jit3A_116, %sign3A_125 : i32
    %sign3A_127 = arith.extui %sign3A_126 : i1 to i32
    %sign3A_128 = arith.constant 0 : i32
    %sign3A_129 = arith.cmpi slt, %jit3A_116, %sign3A_128 : i32
    %sign3A_130 = arith.extui %sign3A_129 : i1 to i32
    %sign3A_131 = arith.subi %sign3A_127, %sign3A_130 : i32
    %ne3A_132 = arith.cmpi ne, %sign3A_124, %sign3A_131 : i32
    %rem3A_133 = arith.remsi %add3A_115, %jit3A_116 : i32
    %ne3A_134 = arith.constant 0 : i32
    %ne3A_135 = arith.cmpi ne, %rem3A_133, %ne3A_134 : i32
    %and3A_136 = arith.andi %ne3A_132, %ne3A_135 : i1
    %sub3A_137 = arith.constant 1 : i32
    %sub3A_138 = arith.subi %div3A_117, %sub3A_137 : i32
    %select_n3A_139 = arith.select %and3A_136, %sub3A_138, %div3A_117 : i32
    %jit3A_140 = arith.constant 32 : i32
    %eq3A_141 = arith.constant 0 : i32
    %eq3A_142 = arith.cmpi eq, %jit3A_140, %eq3A_141 : i32
    %jit3A_143 = arith.constant 1 : i32
    %select_n3A_144 = arith.select %eq3A_142, %jit3A_143, %jit3A_140 : i32
    %rem3A_145 = arith.remsi %add3A_115, %select_n3A_144 : i32
    %ne3A_146 = arith.constant 0 : i32
    %ne3A_147 = arith.cmpi ne, %rem3A_145, %ne3A_146 : i32
    %lt3A_148 = arith.constant 0 : i32
    %lt3A_149 = arith.cmpi slt, %rem3A_145, %lt3A_148 : i32
    %lt3A_150 = arith.constant 0 : i32
    %lt3A_151 = arith.cmpi slt, %select_n3A_144, %lt3A_150 : i32
    %ne3A_152 = arith.xori %lt3A_149, %lt3A_151 : i1
    %and3A_153 = arith.andi %ne3A_152, %ne3A_147 : i1
    %add3A_154 = arith.addi %rem3A_145, %select_n3A_144 : i32
    %select_n3A_155 = arith.select %and3A_153, %add3A_154, %rem3A_145 : i32
    %mul3A_156 = arith.constant 128 : i32
    %mul3A_157 = arith.muli %select_n3A_155, %mul3A_156 : i32
    %dma_start3A_158 = arith.constant 2 : i32
    %dma_start3A_159 = arith.constant 0 : i32
    %dma_start3A_160 = tpu.memref_slice %arg7[%dma_start3A_158, %dma_start3A_159] : memref<4x128xi32, #tpu.memory_space<vmem>> -> memref<1x128xi32, #tpu.memory_space<vmem>>
    %dma_start3A_161 = tpu.memref_squeeze %dma_start3A_160 : memref<1x128xi32, #tpu.memory_space<vmem>> -> memref<128xi32, #tpu.memory_space<vmem>>
    %dma_start3A_162 = tpu.memref_slice %arg2[%select_n3A_139, %mul3A_157] : memref<200x4096xi32, #tpu.memory_space<hbm>> -> memref<1x128xi32, #tpu.memory_space<hbm>>
    %dma_start3A_163 = tpu.memref_squeeze %dma_start3A_162 : memref<1x128xi32, #tpu.memory_space<hbm>> -> memref<128xi32, #tpu.memory_space<hbm>>
    %dma_start3A_164 = arith.constant 0 : i32
    %dma_start3A_165 = tpu.memref_slice %arg7[%dma_start3A_158, %dma_start3A_164] : memref<4x128xi32, #tpu.memory_space<vmem>> -> memref<1x128xi32, #tpu.memory_space<vmem>>
    %dma_start3A_166 = tpu.memref_squeeze %dma_start3A_165 : memref<1x128xi32, #tpu.memory_space<vmem>> -> memref<128xi32, #tpu.memory_space<vmem>>
    %dma_start3A_167 = tpu.memref_slice %arg2[%select_n3A_139, %mul3A_157] : memref<200x4096xi32, #tpu.memory_space<hbm>> -> memref<1x128xi32, #tpu.memory_space<hbm>>
    %dma_start3A_168 = tpu.memref_squeeze %dma_start3A_167 : memref<1x128xi32, #tpu.memory_space<hbm>> -> memref<128xi32, #tpu.memory_space<hbm>>
    tpu.enqueue_dma source(%dma_start3A_168 : memref<128xi32, #tpu.memory_space<hbm>>) target(%dma_start3A_166 : memref<128xi32, #tpu.memory_space<vmem>>) target_semaphore(%arg14 : memref<!tpu.dma_semaphore, #tpu.memory_space<semaphore_mem>>)
    %dma_wait3A_169 = arith.constant 0 : i32
    %dma_wait3A_170 = arith.constant 0 : i32
    %dma_wait3A_171 = arith.constant 0 : i32
    %dma_wait3A_172 = tpu.memref_slice %arg7[%dma_wait3A_170, %dma_wait3A_171] : memref<4x128xi32, #tpu.memory_space<vmem>> -> memref<1x128xi32, #tpu.memory_space<vmem>>
    %dma_wait3A_173 = tpu.memref_squeeze %dma_wait3A_172 : memref<1x128xi32, #tpu.memory_space<vmem>> -> memref<128xi32, #tpu.memory_space<vmem>>
    %dma_wait3A_174 = arith.constant 0 : i32
    %dma_wait3A_175 = tpu.memref_slice %arg2[%dma_wait3A_169, %dma_wait3A_174] : memref<200x4096xi32, #tpu.memory_space<hbm>> -> memref<1x128xi32, #tpu.memory_space<hbm>>
    %dma_wait3A_176 = tpu.memref_squeeze %dma_wait3A_175 : memref<1x128xi32, #tpu.memory_space<hbm>> -> memref<128xi32, #tpu.memory_space<hbm>>
    %dma_wait3A_177 = arith.constant 0 : i32
    %dma_wait3A_178 = tpu.memref_slice %arg7[%dma_wait3A_170, %dma_wait3A_177] : memref<4x128xi32, #tpu.memory_space<vmem>> -> memref<1x128xi32, #tpu.memory_space<vmem>>
    %dma_wait3A_179 = tpu.memref_squeeze %dma_wait3A_178 : memref<1x128xi32, #tpu.memory_space<vmem>> -> memref<128xi32, #tpu.memory_space<vmem>>
    %dma_wait3A_180 = arith.constant 0 : i32
    %dma_wait3A_181 = tpu.memref_slice %arg2[%dma_wait3A_169, %dma_wait3A_180] : memref<200x4096xi32, #tpu.memory_space<hbm>> -> memref<1x128xi32, #tpu.memory_space<hbm>>
    %dma_wait3A_182 = tpu.memref_squeeze %dma_wait3A_181 : memref<1x128xi32, #tpu.memory_space<hbm>> -> memref<128xi32, #tpu.memory_space<hbm>>
    tpu.wait_dma2 semaphore(%arg12 : memref<!tpu.dma_semaphore, #tpu.memory_space<semaphore_mem>>) src(%dma_wait3A_182 : memref<128xi32, #tpu.memory_space<hbm>>) dst(%dma_wait3A_179 : memref<128xi32, #tpu.memory_space<vmem>>)
    %dma_start3A_183 = arith.constant 0 : i32
    %dma_start3A_184 = arith.constant 0 : i32
    %dma_start3A_185 = arith.constant 0 : i32
    %dma_start3A_186 = arith.constant 0 : i32
    %dma_start3A_187 = tpu.memref_slice %arg8[%dma_start3A_184, %dma_start3A_185, %dma_start3A_186] : memref<4x128x128xf32, #tpu.memory_space<vmem>> -> memref<1x128x128xf32, #tpu.memory_space<vmem>>
    %dma_start3A_188 = tpu.memref_squeeze %dma_start3A_187 : memref<1x128x128xf32, #tpu.memory_space<vmem>> -> memref<128x128xf32, #tpu.memory_space<vmem>>
    %dma_start3A_189 = arith.constant 0 : i32
    %dma_start3A_190 = tpu.memref_slice %arg7[%dma_start3A_183, %dma_start3A_189] : memref<4x128xi32, #tpu.memory_space<vmem>> -> memref<1x128xi32, #tpu.memory_space<vmem>>
    %dma_start3A_191 = tpu.memref_squeeze %dma_start3A_190 : memref<1x128xi32, #tpu.memory_space<vmem>> -> memref<128xi32, #tpu.memory_space<vmem>>
    %dma_start3A_192 = arith.constant 0 : i32
    %dma_start3A_193 = arith.constant 0 : i32
    %dma_start3A_194 = tpu.memref_slice %arg4[%dma_start3A_192, %dma_start3A_193] : memref<100000x128xf32, #tpu.memory_space<hbm>> -> memref<100000x128xf32, #tpu.memory_space<hbm>>
    tpu.enqueue_indirect_dma source(%dma_start3A_194 : memref<100000x128xf32, #tpu.memory_space<hbm>>) target(%dma_start3A_188 : memref<128x128xf32, #tpu.memory_space<vmem>>) offsets(%dma_start3A_191 : memref<128xi32, #tpu.memory_space<vmem>>) semaphore(%arg16 : memref<!tpu.dma_semaphore, #tpu.memory_space<semaphore_mem>>)
    %dma_wait3A_195 = arith.constant 0 : i32
    %dma_wait3A_196 = arith.constant 1 : i32
    %dma_wait3A_197 = arith.constant 0 : i32
    %dma_wait3A_198 = tpu.memref_slice %arg7[%dma_wait3A_196, %dma_wait3A_197] : memref<4x128xi32, #tpu.memory_space<vmem>> -> memref<1x128xi32, #tpu.memory_space<vmem>>
    %dma_wait3A_199 = tpu.memref_squeeze %dma_wait3A_198 : memref<1x128xi32, #tpu.memory_space<vmem>> -> memref<128xi32, #tpu.memory_space<vmem>>
    %dma_wait3A_200 = arith.constant 0 : i32
    %dma_wait3A_201 = tpu.memref_slice %arg2[%dma_wait3A_195, %dma_wait3A_200] : memref<200x4096xi32, #tpu.memory_space<hbm>> -> memref<1x128xi32, #tpu.memory_space<hbm>>
    %dma_wait3A_202 = tpu.memref_squeeze %dma_wait3A_201 : memref<1x128xi32, #tpu.memory_space<hbm>> -> memref<128xi32, #tpu.memory_space<hbm>>
    %dma_wait3A_203 = arith.constant 0 : i32
    %dma_wait3A_204 = tpu.memref_slice %arg7[%dma_wait3A_196, %dma_wait3A_203] : memref<4x128xi32, #tpu.memory_space<vmem>> -> memref<1x128xi32, #tpu.memory_space<vmem>>
    %dma_wait3A_205 = tpu.memref_squeeze %dma_wait3A_204 : memref<1x128xi32, #tpu.memory_space<vmem>> -> memref<128xi32, #tpu.memory_space<vmem>>
    %dma_wait3A_206 = arith.constant 0 : i32
    %dma_wait3A_207 = tpu.memref_slice %arg2[%dma_wait3A_195, %dma_wait3A_206] : memref<200x4096xi32, #tpu.memory_space<hbm>> -> memref<1x128xi32, #tpu.memory_space<hbm>>
    %dma_wait3A_208 = tpu.memref_squeeze %dma_wait3A_207 : memref<1x128xi32, #tpu.memory_space<hbm>> -> memref<128xi32, #tpu.memory_space<hbm>>
    tpu.wait_dma2 semaphore(%arg13 : memref<!tpu.dma_semaphore, #tpu.memory_space<semaphore_mem>>) src(%dma_wait3A_208 : memref<128xi32, #tpu.memory_space<hbm>>) dst(%dma_wait3A_205 : memref<128xi32, #tpu.memory_space<vmem>>)
    %dma_start3A_209 = arith.constant 1 : i32
    %dma_start3A_210 = arith.constant 1 : i32
    %dma_start3A_211 = arith.constant 0 : i32
    %dma_start3A_212 = arith.constant 0 : i32
    %dma_start3A_213 = tpu.memref_slice %arg8[%dma_start3A_210, %dma_start3A_211, %dma_start3A_212] : memref<4x128x128xf32, #tpu.memory_space<vmem>> -> memref<1x128x128xf32, #tpu.memory_space<vmem>>
    %dma_start3A_214 = tpu.memref_squeeze %dma_start3A_213 : memref<1x128x128xf32, #tpu.memory_space<vmem>> -> memref<128x128xf32, #tpu.memory_space<vmem>>
    %dma_start3A_215 = arith.constant 0 : i32
    %dma_start3A_216 = tpu.memref_slice %arg7[%dma_start3A_209, %dma_start3A_215] : memref<4x128xi32, #tpu.memory_space<vmem>> -> memref<1x128xi32, #tpu.memory_space<vmem>>
    %dma_start3A_217 = tpu.memref_squeeze %dma_start3A_216 : memref<1x128xi32, #tpu.memory_space<vmem>> -> memref<128xi32, #tpu.memory_space<vmem>>
    %dma_start3A_218 = arith.constant 0 : i32
    %dma_start3A_219 = arith.constant 0 : i32
    %dma_start3A_220 = tpu.memref_slice %arg4[%dma_start3A_218, %dma_start3A_219] : memref<100000x128xf32, #tpu.memory_space<hbm>> -> memref<100000x128xf32, #tpu.memory_space<hbm>>
    tpu.enqueue_indirect_dma source(%dma_start3A_220 : memref<100000x128xf32, #tpu.memory_space<hbm>>) target(%dma_start3A_214 : memref<128x128xf32, #tpu.memory_space<vmem>>) offsets(%dma_start3A_217 : memref<128xi32, #tpu.memory_space<vmem>>) semaphore(%arg17 : memref<!tpu.dma_semaphore, #tpu.memory_space<semaphore_mem>>)
    %scan3A_221 = arith.constant 0 : i32
    %scan3A_222 = arith.constant 0 : i32
    %scan3A_223 = arith.constant 50 : i32
    %scan3A_224 = arith.addi %scan3A_222, %scan3A_223 : i32
    %scan3A_225 = arith.constant 1 : i32
    scf.for %scan3A_287 = %scan3A_222 to %scan3A_224 step %scan3A_225  : i32 {
      %mul3A_288 = arith.constant 4 : i32
      %mul3A_289 = arith.muli %scan3A_287, %mul3A_288 : i32
      %add3A_290 = arith.constant 0 : i32
      %add3A_291 = arith.addi %mul3A_289, %add3A_290 : i32
      %dma_wait3A_292 = arith.constant 0 : i32
      %dma_wait3A_293 = arith.constant 0 : i32
      %dma_wait3A_294 = arith.constant 0 : i32
      %dma_wait3A_295 = arith.constant 0 : i32
      %dma_wait3A_296 = tpu.memref_slice %arg8[%dma_wait3A_293, %dma_wait3A_294, %dma_wait3A_295] : memref<4x128x128xf32, #tpu.memory_space<vmem>> -> memref<1x128x128xf32, #tpu.memory_space<vmem>>
      %dma_wait3A_297 = tpu.memref_squeeze %dma_wait3A_296 : memref<1x128x128xf32, #tpu.memory_space<vmem>> -> memref<128x128xf32, #tpu.memory_space<vmem>>
      %dma_wait3A_298 = arith.constant 0 : i32
      %dma_wait3A_299 = tpu.memref_slice %arg7[%dma_wait3A_292, %dma_wait3A_298] : memref<4x128xi32, #tpu.memory_space<vmem>> -> memref<1x128xi32, #tpu.memory_space<vmem>>
      %dma_wait3A_300 = tpu.memref_squeeze %dma_wait3A_299 : memref<1x128xi32, #tpu.memory_space<vmem>> -> memref<128xi32, #tpu.memory_space<vmem>>
      %dma_wait3A_301 = arith.constant 0 : i32
      %dma_wait3A_302 = arith.constant 0 : i32
      %dma_wait3A_303 = tpu.memref_slice %arg4[%dma_wait3A_301, %dma_wait3A_302] : memref<100000x128xf32, #tpu.memory_space<hbm>> -> memref<100000x128xf32, #tpu.memory_space<hbm>>
      tpu.wait_indirect_dma semaphore(%arg16 : memref<!tpu.dma_semaphore, #tpu.memory_space<semaphore_mem>>) src(%dma_wait3A_303 : memref<100000x128xf32, #tpu.memory_space<hbm>>) dst(%dma_wait3A_297 : memref<128x128xf32, #tpu.memory_space<vmem>>)
      %scan3A_304 = arith.constant 0 : i32
      %scan3A_305 = arith.constant 0 : i32
      %scan3A_306 = arith.constant 128 : i32
      %scan3A_307 = arith.addi %scan3A_305, %scan3A_306 : i32
      %scan3A_308 = arith.constant 1 : i32
      scf.for %scan3A_521 = %scan3A_305 to %scan3A_307 step %scan3A_308  : i32 {
        %get3A = arith.constant 0 : i32
        %get3A_522 = arith.index_cast %get3A : i32 to index
        %get3A_523 = arith.index_cast %scan3A_521 : i32 to index
        %get3A_524 = arith.constant 0 : index
        %get3A_525 = tpu.vector_load %arg8[%get3A_522, %get3A_523, %get3A_524] {strides = array<i32>} : memref<4x128x128xf32, #tpu.memory_space<vmem>>, vector<1x1x16xf32>,
        %get3A_526 = vector.shape_cast %get3A_525 : vector<1x1x16xf32> to vector<16xf32>
        %mul3A_527 = arith.constant 0.0883883461 : f32
        %mul3A_528 = vector.broadcast %mul3A_527 : f32 to vector<16xf32>
        %mul3A_529 = arith.mulf %get3A_526, %mul3A_528 : vector<16xf32>
        %swap3A = arith.constant 0 : i32
        %swap3A_530 = arith.index_cast %swap3A : i32 to index
        %swap3A_531 = arith.index_cast %scan3A_521 : i32 to index
        %swap3A_532 = arith.constant 0 : index
        %swap3A_533 = tpu.vector_load %arg8[%swap3A_530, %swap3A_531, %swap3A_532] {strides = array<i32>} : memref<4x128x128xf32, #tpu.memory_space<vmem>>, vector<1x1x16xf32>,
        %swap3A_534 = vector.shape_cast %swap3A_533 : vector<1x1x16xf32> to vector<16xf32>
        %swap3A_535 = vector.shape_cast %mul3A_529 : vector<16xf32> to vector<1x1x16xf32>
        tpu.vector_store %arg8[%swap3A_530, %swap3A_531, %swap3A_532], %swap3A_535 {strides = array<i32>} : memref<4x128x128xf32, #tpu.memory_space<vmem>>, vector<1x1x16xf32>,
        %get3A_536 = arith.constant 0 : i32
        %get3A_537 = arith.index_cast %get3A_536 : i32 to index
        %get3A_538 = arith.index_cast %scan3A_521 : i32 to index
        %get3A_539 = arith.constant 16 : index
        %get3A_540 = tpu.vector_load %arg8[%get3A_537, %get3A_538, %get3A_539] {strides = array<i32>} : memref<4x128x128xf32, #tpu.memory_space<vmem>>, vector<1x1x16xf32>,
        %get3A_541 = vector.shape_cast %get3A_540 : vector<1x1x16xf32> to vector<16xf32>
        %mul3A_542 = arith.constant 0.0883883461 : f32
        %mul3A_543 = vector.broadcast %mul3A_542 : f32 to vector<16xf32>
        %mul3A_544 = arith.mulf %get3A_541, %mul3A_543 : vector<16xf32>
        %swap3A_545 = arith.constant 0 : i32
        %swap3A_546 = arith.index_cast %swap3A_545 : i32 to index
        %swap3A_547 = arith.index_cast %scan3A_521 : i32 to index
        %swap3A_548 = arith.constant 16 : index
        %swap3A_549 = tpu.vector_load %arg8[%swap3A_546, %swap3A_547, %swap3A_548] {strides = array<i32>} : memref<4x128x128xf32, #tpu.memory_space<vmem>>, vector<1x1x16xf32>,
        %swap3A_550 = vector.shape_cast %swap3A_549 : vector<1x1x16xf32> to vector<16xf32>
        %swap3A_551 = vector.shape_cast %mul3A_544 : vector<16xf32> to vector<1x1x16xf32>
        tpu.vector_store %arg8[%swap3A_546, %swap3A_547, %swap3A_548], %swap3A_551 {strides = array<i32>} : memref<4x128x128xf32, #tpu.memory_space<vmem>>, vector<1x1x16xf32>,
        %get3A_552 = arith.constant 0 : i32
        %get3A_553 = arith.index_cast %get3A_552 : i32 to index
        %get3A_554 = arith.index_cast %scan3A_521 : i32 to index
        %get3A_555 = arith.constant 32 : index
        %get3A_556 = tpu.vector_load %arg8[%get3A_553, %get3A_554, %get3A_555] {strides = array<i32>} : memref<4x128x128xf32, #tpu.memory_space<vmem>>, vector<1x1x16xf32>,
        %get3A_557 = vector.shape_cast %get3A_556 : vector<1x1x16xf32> to vector<16xf32>
        %mul3A_558 = arith.constant 0.0883883461 : f32
        %mul3A_559 = vector.broadcast %mul3A_558 : f32 to vector<16xf32>
        %mul3A_560 = arith.mulf %get3A_557, %mul3A_559 : vector<16xf32>
        %swap3A_561 = arith.constant 0 : i32
        %swap3A_562 = arith.index_cast %swap3A_561 : i32 to index
        %swap3A_563 = arith.index_cast %scan3A_521 : i32 to index
        %swap3A_564 = arith.constant 32 : index
        %swap3A_565 = tpu.vector_load %arg8[%swap3A_562, %swap3A_563, %swap3A_564] {strides = array<i32>} : memref<4x128x128xf32, #tpu.memory_space<vmem>>, vector<1x1x16xf32>,
        %swap3A_566 = vector.shape_cast %swap3A_565 : vector<1x1x16xf32> to vector<16xf32>
        %swap3A_567 = vector.shape_cast %mul3A_560 : vector<16xf32> to vector<1x1x16xf32>
        tpu.vector_store %arg8[%swap3A_562, %swap3A_563, %swap3A_564], %swap3A_567 {strides = array<i32>} : memref<4x128x128xf32, #tpu.memory_space<vmem>>, vector<1x1x16xf32>,
        %get3A_568 = arith.constant 0 : i32
        %get3A_569 = arith.index_cast %get3A_568 : i32 to index
        %get3A_570 = arith.index_cast %scan3A_521 : i32 to index
        %get3A_571 = arith.constant 48 : index
        %get3A_572 = tpu.vector_load %arg8[%get3A_569, %get3A_570, %get3A_571] {strides = array<i32>} : memref<4x128x128xf32, #tpu.memory_space<vmem>>, vector<1x1x16xf32>,
        %get3A_573 = vector.shape_cast %get3A_572 : vector<1x1x16xf32> to vector<16xf32>
        %mul3A_574 = arith.constant 0.0883883461 : f32
        %mul3A_575 = vector.broadcast %mul3A_574 : f32 to vector<16xf32>
        %mul3A_576 = arith.mulf %get3A_573, %mul3A_575 : vector<16xf32>
        %swap3A_577 = arith.constant 0 : i32
        %swap3A_578 = arith.index_cast %swap3A_577 : i32 to index
        %swap3A_579 = arith.index_cast %scan3A_521 : i32 to index
        %swap3A_580 = arith.constant 48 : index
        %swap3A_581 = tpu.vector_load %arg8[%swap3A_578, %swap3A_579, %swap3A_580] {strides = array<i32>} : memref<4x128x128xf32, #tpu.memory_space<vmem>>, vector<1x1x16xf32>,
        %swap3A_582 = vector.shape_cast %swap3A_581 : vector<1x1x16xf32> to vector<16xf32>
        %swap3A_583 = vector.shape_cast %mul3A_576 : vector<16xf32> to vector<1x1x16xf32>
        tpu.vector_store %arg8[%swap3A_578, %swap3A_579, %swap3A_580], %swap3A_583 {strides = array<i32>} : memref<4x128x128xf32, #tpu.memory_space<vmem>>, vector<1x1x16xf32>,
        %get3A_584 = arith.constant 0 : i32
        %get3A_585 = arith.index_cast %get3A_584 : i32 to index
        %get3A_586 = arith.index_cast %scan3A_521 : i32 to index
        %get3A_587 = arith.constant 64 : index
        %get3A_588 = tpu.vector_load %arg8[%get3A_585, %get3A_586, %get3A_587] {strides = array<i32>} : memref<4x128x128xf32, #tpu.memory_space<vmem>>, vector<1x1x16xf32>,
        %get3A_589 = vector.shape_cast %get3A_588 : vector<1x1x16xf32> to vector<16xf32>
        %mul3A_590 = arith.constant 0.0883883461 : f32
        %mul3A_591 = vector.broadcast %mul3A_590 : f32 to vector<16xf32>
        %mul3A_592 = arith.mulf %get3A_589, %mul3A_591 : vector<16xf32>
        %swap3A_593 = arith.constant 0 : i32
        %swap3A_594 = arith.index_cast %swap3A_593 : i32 to index
        %swap3A_595 = arith.index_cast %scan3A_521 : i32 to index
        %swap3A_596 = arith.constant 64 : index
        %swap3A_597 = tpu.vector_load %arg8[%swap3A_594, %swap3A_595, %swap3A_596] {strides = array<i32>} : memref<4x128x128xf32, #tpu.memory_space<vmem>>, vector<1x1x16xf32>,
        %swap3A_598 = vector.shape_cast %swap3A_597 : vector<1x1x16xf32> to vector<16xf32>
        %swap3A_599 = vector.shape_cast %mul3A_592 : vector<16xf32> to vector<1x1x16xf32>
        tpu.vector_store %arg8[%swap3A_594, %swap3A_595, %swap3A_596], %swap3A_599 {strides = array<i32>} : memref<4x128x128xf32, #tpu.memory_space<vmem>>, vector<1x1x16xf32>,
        %get3A_600 = arith.constant 0 : i32
        %get3A_601 = arith.index_cast %get3A_600 : i32 to index
        %get3A_602 = arith.index_cast %scan3A_521 : i32 to index
        %get3A_603 = arith.constant 80 : index
        %get3A_604 = tpu.vector_load %arg8[%get3A_601, %get3A_602, %get3A_603] {strides = array<i32>} : memref<4x128x128xf32, #tpu.memory_space<vmem>>, vector<1x1x16xf32>,
        %get3A_605 = vector.shape_cast %get3A_604 : vector<1x1x16xf32> to vector<16xf32>
        %mul3A_606 = arith.constant 0.0883883461 : f32
        %mul3A_607 = vector.broadcast %mul3A_606 : f32 to vector<16xf32>
        %mul3A_608 = arith.mulf %get3A_605, %mul3A_607 : vector<16xf32>
        %swap3A_609 = arith.constant 0 : i32
        %swap3A_610 = arith.index_cast %swap3A_609 : i32 to index
        %swap3A_611 = arith.index_cast %scan3A_521 : i32 to index
        %swap3A_612 = arith.constant 80 : index
        %swap3A_613 = tpu.vector_load %arg8[%swap3A_610, %swap3A_611, %swap3A_612] {strides = array<i32>} : memref<4x128x128xf32, #tpu.memory_space<vmem>>, vector<1x1x16xf32>,
        %swap3A_614 = vector.shape_cast %swap3A_613 : vector<1x1x16xf32> to vector<16xf32>
        %swap3A_615 = vector.shape_cast %mul3A_608 : vector<16xf32> to vector<1x1x16xf32>
        tpu.vector_store %arg8[%swap3A_610, %swap3A_611, %swap3A_612], %swap3A_615 {strides = array<i32>} : memref<4x128x128xf32, #tpu.memory_space<vmem>>, vector<1x1x16xf32>,
        %get3A_616 = arith.constant 0 : i32
        %get3A_617 = arith.index_cast %get3A_616 : i32 to index
        %get3A_618 = arith.index_cast %scan3A_521 : i32 to index
        %get3A_619 = arith.constant 96 : index
        %get3A_620 = tpu.vector_load %arg8[%get3A_617, %get3A_618, %get3A_619] {strides = array<i32>} : memref<4x128x128xf32, #tpu.memory_space<vmem>>, vector<1x1x16xf32>,
        %get3A_621 = vector.shape_cast %get3A_620 : vector<1x1x16xf32> to vector<16xf32>
        %mul3A_622 = arith.constant 0.0883883461 : f32
        %mul3A_623 = vector.broadcast %mul3A_622 : f32 to vector<16xf32>
        %mul3A_624 = arith.mulf %get3A_621, %mul3A_623 : vector<16xf32>
        %swap3A_625 = arith.constant 0 : i32
        %swap3A_626 = arith.index_cast %swap3A_625 : i32 to index
        %swap3A_627 = arith.index_cast %scan3A_521 : i32 to index
        %swap3A_628 = arith.constant 96 : index
        %swap3A_629 = tpu.vector_load %arg8[%swap3A_626, %swap3A_627, %swap3A_628] {strides = array<i32>} : memref<4x128x128xf32, #tpu.memory_space<vmem>>, vector<1x1x16xf32>,
        %swap3A_630 = vector.shape_cast %swap3A_629 : vector<1x1x16xf32> to vector<16xf32>
        %swap3A_631 = vector.shape_cast %mul3A_624 : vector<16xf32> to vector<1x1x16xf32>
        tpu.vector_store %arg8[%swap3A_626, %swap3A_627, %swap3A_628], %swap3A_631 {strides = array<i32>} : memref<4x128x128xf32, #tpu.memory_space<vmem>>, vector<1x1x16xf32>,
        %get3A_632 = arith.constant 0 : i32
        %get3A_633 = arith.index_cast %get3A_632 : i32 to index
        %get3A_634 = arith.index_cast %scan3A_521 : i32 to index
        %get3A_635 = arith.constant 112 : index
        %get3A_636 = tpu.vector_load %arg8[%get3A_633, %get3A_634, %get3A_635] {strides = array<i32>} : memref<4x128x128xf32, #tpu.memory_space<vmem>>, vector<1x1x16xf32>,
        %get3A_637 = vector.shape_cast %get3A_636 : vector<1x1x16xf32> to vector<16xf32>
        %mul3A_638 = arith.constant 0.0883883461 : f32
        %mul3A_639 = vector.broadcast %mul3A_638 : f32 to vector<16xf32>
        %mul3A_640 = arith.mulf %get3A_637, %mul3A_639 : vector<16xf32>
        %swap3A_641 = arith.constant 0 : i32
        %swap3A_642 = arith.index_cast %swap3A_641 : i32 to index
        %swap3A_643 = arith.index_cast %scan3A_521 : i32 to index
        %swap3A_644 = arith.constant 112 : index
        %swap3A_645 = tpu.vector_load %arg8[%swap3A_642, %swap3A_643, %swap3A_644] {strides = array<i32>} : memref<4x128x128xf32, #tpu.memory_space<vmem>>, vector<1x1x16xf32>,
        %swap3A_646 = vector.shape_cast %swap3A_645 : vector<1x1x16xf32> to vector<16xf32>
        %swap3A_647 = vector.shape_cast %mul3A_640 : vector<16xf32> to vector<1x1x16xf32>
        tpu.vector_store %arg8[%swap3A_642, %swap3A_643, %swap3A_644], %swap3A_647 {strides = array<i32>} : memref<4x128x128xf32, #tpu.memory_space<vmem>>, vector<1x1x16xf32>,
      }
      %scan3A_309 = arith.constant 128 : i32
      %add3A_310 = arith.addi %mul3A_4, %add3A_291 : i32
      %mul3A_311 = arith.constant 128 : i32
      %mul3A_312 = arith.muli %add3A_310, %mul3A_311 : i32
      %add3A_313 = arith.constant 4096 : i32
      %add3A_314 = arith.addi %add3A_313, %mul3A_312 : i32
      %multiple_of3A = tpu.assume_multiple %add3A_314, 128 : i32
      %dma_start3A_315 = arith.constant 0 : i32
      %dma_start3A_316 = arith.constant 0 : i32
      %dma_start3A_317 = arith.constant 0 : i32
      %dma_start3A_318 = tpu.memref_slice %arg8[%dma_start3A_315, %dma_start3A_316, %dma_start3A_317] : memref<4x128x128xf32, #tpu.memory_space<vmem>> -> memref<1x128x128xf32, #tpu.memory_space<vmem>>
      %dma_start3A_319 = tpu.memref_squeeze %dma_start3A_318 : memref<1x128x128xf32, #tpu.memory_space<vmem>> -> memref<128x128xf32, #tpu.memory_space<vmem>>
      %dma_start3A_320 = arith.constant 0 : i32
      %dma_start3A_321 = tpu.memref_slice %arg6[%multiple_of3A, %dma_start3A_320] : memref<823296x128xf32, #tpu.memory_space<hbm>> -> memref<128x128xf32, #tpu.memory_space<hbm>>
      %dma_start3A_322 = arith.constant 0 : i32
      %dma_start3A_323 = tpu.memref_slice %arg6[%multiple_of3A, %dma_start3A_322] : memref<823296x128xf32, #tpu.memory_space<hbm>> -> memref<128x128xf32, #tpu.memory_space<hbm>>
      %dma_start3A_324 = arith.constant 0 : i32
      %dma_start3A_325 = arith.constant 0 : i32
      %dma_start3A_326 = tpu.memref_slice %arg8[%dma_start3A_315, %dma_start3A_324, %dma_start3A_325] : memref<4x128x128xf32, #tpu.memory_space<vmem>> -> memref<1x128x128xf32, #tpu.memory_space<vmem>>
      %dma_start3A_327 = tpu.memref_squeeze %dma_start3A_326 : memref<1x128x128xf32, #tpu.memory_space<vmem>> -> memref<128x128xf32, #tpu.memory_space<vmem>>
      tpu.enqueue_dma source(%dma_start3A_327 : memref<128x128xf32, #tpu.memory_space<vmem>>) target(%dma_start3A_323 : memref<128x128xf32, #tpu.memory_space<hbm>>) target_semaphore(%arg20 : memref<!tpu.dma_semaphore, #tpu.memory_space<semaphore_mem>>)
      %add3A_328 = arith.constant 4 : i32
      %add3A_329 = arith.addi %add3A_291, %add3A_328 : i32
      %sub3A_330 = arith.constant 1 : i32
      %sub3A_331 = arith.subi %add3A_329, %sub3A_330 : i32
      %lt3A_332 = arith.constant 200 : i32
      %lt3A_333 = arith.cmpi slt, %sub3A_331, %lt3A_332 : i32
      %convert_element_type3A = arith.extui %lt3A_333 : i1 to i32
      %cond3A = arith.constant 0 : i32
      %cond3A_334 = arith.cmpi ne, %convert_element_type3A, %cond3A : i32
      scf.if %cond3A_334 {
        %add3A_521 = arith.constant 4 : i32
        %add3A_522 = arith.addi %add3A_291, %add3A_521 : i32
        %sub3A_523 = arith.constant 1 : i32
        %sub3A_524 = arith.subi %add3A_522, %sub3A_523 : i32
        %add3A_525 = arith.addi %mul3A_4, %sub3A_524 : i32
        %jit3A_526 = arith.constant 32 : i32
        %div3A_527 = arith.divsi %add3A_525, %jit3A_526 : i32
        %sign3A_528 = arith.constant 0 : i32
        %sign3A_529 = arith.cmpi sgt, %add3A_525, %sign3A_528 : i32
        %sign3A_530 = arith.extui %sign3A_529 : i1 to i32
        %sign3A_531 = arith.constant 0 : i32
        %sign3A_532 = arith.cmpi slt, %add3A_525, %sign3A_531 : i32
        %sign3A_533 = arith.extui %sign3A_532 : i1 to i32
        %sign3A_534 = arith.subi %sign3A_530, %sign3A_533 : i32
        %sign3A_535 = arith.constant 0 : i32
        %sign3A_536 = arith.cmpi sgt, %jit3A_526, %sign3A_535 : i32
        %sign3A_537 = arith.extui %sign3A_536 : i1 to i32
        %sign3A_538 = arith.constant 0 : i32
        %sign3A_539 = arith.cmpi slt, %jit3A_526, %sign3A_538 : i32
        %sign3A_540 = arith.extui %sign3A_539 : i1 to i32
        %sign3A_541 = arith.subi %sign3A_537, %sign3A_540 : i32
        %ne3A_542 = arith.cmpi ne, %sign3A_534, %sign3A_541 : i32
        %rem3A_543 = arith.remsi %add3A_525, %jit3A_526 : i32
        %ne3A_544 = arith.constant 0 : i32
        %ne3A_545 = arith.cmpi ne, %rem3A_543, %ne3A_544 : i32
        %and3A_546 = arith.andi %ne3A_542, %ne3A_545 : i1
        %sub3A_547 = arith.constant 1 : i32
        %sub3A_548 = arith.subi %div3A_527, %sub3A_547 : i32
        %select_n3A_549 = arith.select %and3A_546, %sub3A_548, %div3A_527 : i32
        %jit3A_550 = arith.constant 32 : i32
        %eq3A_551 = arith.constant 0 : i32
        %eq3A_552 = arith.cmpi eq, %jit3A_550, %eq3A_551 : i32
        %jit3A_553 = arith.constant 1 : i32
        %select_n3A_554 = arith.select %eq3A_552, %jit3A_553, %jit3A_550 : i32
        %rem3A_555 = arith.remsi %add3A_525, %select_n3A_554 : i32
        %ne3A_556 = arith.constant 0 : i32
        %ne3A_557 = arith.cmpi ne, %rem3A_555, %ne3A_556 : i32
        %lt3A_558 = arith.constant 0 : i32
        %lt3A_559 = arith.cmpi slt, %rem3A_555, %lt3A_558 : i32
        %lt3A_560 = arith.constant 0 : i32
        %lt3A_561 = arith.cmpi slt, %select_n3A_554, %lt3A_560 : i32
        %ne3A_562 = arith.xori %lt3A_559, %lt3A_561 : i1
        %and3A_563 = arith.andi %ne3A_562, %ne3A_557 : i1
        %add3A_564 = arith.addi %rem3A_555, %select_n3A_554 : i32
        %select_n3A_565 = arith.select %and3A_563, %add3A_564, %rem3A_555 : i32
        %mul3A_566 = arith.constant 128 : i32
        %mul3A_567 = arith.muli %select_n3A_565, %mul3A_566 : i32
        %dma_start3A_568 = arith.constant 3 : i32
        %dma_start3A_569 = arith.constant 0 : i32
        %dma_start3A_570 = tpu.memref_slice %arg7[%dma_start3A_568, %dma_start3A_569] : memref<4x128xi32, #tpu.memory_space<vmem>> -> memref<1x128xi32, #tpu.memory_space<vmem>>
        %dma_start3A_571 = tpu.memref_squeeze %dma_start3A_570 : memref<1x128xi32, #tpu.memory_space<vmem>> -> memref<128xi32, #tpu.memory_space<vmem>>
        %dma_start3A_572 = tpu.memref_slice %arg2[%select_n3A_549, %mul3A_567] : memref<200x4096xi32, #tpu.memory_space<hbm>> -> memref<1x128xi32, #tpu.memory_space<hbm>>
        %dma_start3A_573 = tpu.memref_squeeze %dma_start3A_572 : memref<1x128xi32, #tpu.memory_space<hbm>> -> memref<128xi32, #tpu.memory_space<hbm>>
        %dma_start3A_574 = arith.constant 0 : i32
        %dma_start3A_575 = tpu.memref_slice %arg7[%dma_start3A_568, %dma_start3A_574] : memref<4x128xi32, #tpu.memory_space<vmem>> -> memref<1x128xi32, #tpu.memory_space<vmem>>
        %dma_start3A_576 = tpu.memref_squeeze %dma_start3A_575 : memref<1x128xi32, #tpu.memory_space<vmem>> -> memref<128xi32, #tpu.memory_space<vmem>>
        %dma_start3A_577 = tpu.memref_slice %arg2[%select_n3A_549, %mul3A_567] : memref<200x4096xi32, #tpu.memory_space<hbm>> -> memref<1x128xi32, #tpu.memory_space<hbm>>
        %dma_start3A_578 = tpu.memref_squeeze %dma_start3A_577 : memref<1x128xi32, #tpu.memory_space<hbm>> -> memref<128xi32, #tpu.memory_space<hbm>>
        tpu.enqueue_dma source(%dma_start3A_578 : memref<128xi32, #tpu.memory_space<hbm>>) target(%dma_start3A_576 : memref<128xi32, #tpu.memory_space<vmem>>) target_semaphore(%arg15 : memref<!tpu.dma_semaphore, #tpu.memory_space<semaphore_mem>>)
      } else {
      }
      %add3A_335 = arith.constant 4 : i32
      %add3A_336 = arith.addi %add3A_291, %add3A_335 : i32
      %sub3A_337 = arith.constant 2 : i32
      %sub3A_338 = arith.subi %add3A_336, %sub3A_337 : i32
      %lt3A_339 = arith.constant 200 : i32
      %lt3A_340 = arith.cmpi slt, %sub3A_338, %lt3A_339 : i32
      %convert_element_type3A_341 = arith.extui %lt3A_340 : i1 to i32
      %cond3A_342 = arith.constant 0 : i32
      %cond3A_343 = arith.cmpi ne, %convert_element_type3A_341, %cond3A_342 : i32
      scf.if %cond3A_343 {
        %ge3A = arith.constant 2 : i32
        %ge3A_521 = arith.cmpi sge, %add3A_291, %ge3A : i32
        %convert_element_type3A_522 = arith.extui %ge3A_521 : i1 to i32
        %cond3A_523 = arith.constant 0 : i32
        %cond3A_524 = arith.cmpi ne, %convert_element_type3A_522, %cond3A_523 : i32
        scf.if %cond3A_524 {
          %dma_wait3A_551 = arith.constant 2 : i32
          %dma_wait3A_552 = arith.constant 0 : i32
          %dma_wait3A_553 = arith.constant 0 : i32
          %dma_wait3A_554 = tpu.memref_slice %arg8[%dma_wait3A_551, %dma_wait3A_552, %dma_wait3A_553] : memref<4x128x128xf32, #tpu.memory_space<vmem>> -> memref<1x128x128xf32, #tpu.memory_space<vmem>>
          %dma_wait3A_555 = tpu.memref_squeeze %dma_wait3A_554 : memref<1x128x128xf32, #tpu.memory_space<vmem>> -> memref<128x128xf32, #tpu.memory_space<vmem>>
          %dma_wait3A_556 = arith.constant 0 : i32
          %dma_wait3A_557 = arith.constant 0 : i32
          %dma_wait3A_558 = tpu.memref_slice %arg6[%dma_wait3A_556, %dma_wait3A_557] : memref<823296x128xf32, #tpu.memory_space<hbm>> -> memref<128x128xf32, #tpu.memory_space<hbm>>
          %dma_wait3A_559 = arith.constant 0 : i32
          %dma_wait3A_560 = arith.constant 0 : i32
          %dma_wait3A_561 = tpu.memref_slice %arg6[%dma_wait3A_559, %dma_wait3A_560] : memref<823296x128xf32, #tpu.memory_space<hbm>> -> memref<128x128xf32, #tpu.memory_space<hbm>>
          %dma_wait3A_562 = arith.constant 0 : i32
          %dma_wait3A_563 = arith.constant 0 : i32
          %dma_wait3A_564 = tpu.memref_slice %arg8[%dma_wait3A_551, %dma_wait3A_562, %dma_wait3A_563] : memref<4x128x128xf32, #tpu.memory_space<vmem>> -> memref<1x128x128xf32, #tpu.memory_space<vmem>>
          %dma_wait3A_565 = tpu.memref_squeeze %dma_wait3A_564 : memref<1x128x128xf32, #tpu.memory_space<vmem>> -> memref<128x128xf32, #tpu.memory_space<vmem>>
          tpu.wait_dma2 semaphore(%arg22 : memref<!tpu.dma_semaphore, #tpu.memory_space<semaphore_mem>>) src(%dma_wait3A_565 : memref<128x128xf32, #tpu.memory_space<vmem>>) dst(%dma_wait3A_561 : memref<128x128xf32, #tpu.memory_space<hbm>>)
        } else {
        }
        %dma_wait3A_525 = arith.constant 0 : i32
        %dma_wait3A_526 = arith.constant 2 : i32
        %dma_wait3A_527 = arith.constant 0 : i32
        %dma_wait3A_528 = tpu.memref_slice %arg7[%dma_wait3A_526, %dma_wait3A_527] : memref<4x128xi32, #tpu.memory_space<vmem>> -> memref<1x128xi32, #tpu.memory_space<vmem>>
        %dma_wait3A_529 = tpu.memref_squeeze %dma_wait3A_528 : memref<1x128xi32, #tpu.memory_space<vmem>> -> memref<128xi32, #tpu.memory_space<vmem>>
        %dma_wait3A_530 = arith.constant 0 : i32
        %dma_wait3A_531 = tpu.memref_slice %arg2[%dma_wait3A_525, %dma_wait3A_530] : memref<200x4096xi32, #tpu.memory_space<hbm>> -> memref<1x128xi32, #tpu.memory_space<hbm>>
        %dma_wait3A_532 = tpu.memref_squeeze %dma_wait3A_531 : memref<1x128xi32, #tpu.memory_space<hbm>> -> memref<128xi32, #tpu.memory_space<hbm>>
        %dma_wait3A_533 = arith.constant 0 : i32
        %dma_wait3A_534 = tpu.memref_slice %arg7[%dma_wait3A_526, %dma_wait3A_533] : memref<4x128xi32, #tpu.memory_space<vmem>> -> memref<1x128xi32, #tpu.memory_space<vmem>>
        %dma_wait3A_535 = tpu.memref_squeeze %dma_wait3A_534 : memref<1x128xi32, #tpu.memory_space<vmem>> -> memref<128xi32, #tpu.memory_space<vmem>>
        %dma_wait3A_536 = arith.constant 0 : i32
        %dma_wait3A_537 = tpu.memref_slice %arg2[%dma_wait3A_525, %dma_wait3A_536] : memref<200x4096xi32, #tpu.memory_space<hbm>> -> memref<1x128xi32, #tpu.memory_space<hbm>>
        %dma_wait3A_538 = tpu.memref_squeeze %dma_wait3A_537 : memref<1x128xi32, #tpu.memory_space<hbm>> -> memref<128xi32, #tpu.memory_space<hbm>>
        tpu.wait_dma2 semaphore(%arg14 : memref<!tpu.dma_semaphore, #tpu.memory_space<semaphore_mem>>) src(%dma_wait3A_538 : memref<128xi32, #tpu.memory_space<hbm>>) dst(%dma_wait3A_535 : memref<128xi32, #tpu.memory_space<vmem>>)
        %dma_start3A_539 = arith.constant 2 : i32
        %dma_start3A_540 = arith.constant 2 : i32
        %dma_start3A_541 = arith.constant 0 : i32
        %dma_start3A_542 = arith.constant 0 : i32
        %dma_start3A_543 = tpu.memref_slice %arg8[%dma_start3A_540, %dma_start3A_541, %dma_start3A_542] : memref<4x128x128xf32, #tpu.memory_space<vmem>> -> memref<1x128x128xf32, #tpu.memory_space<vmem>>
        %dma_start3A_544 = tpu.memref_squeeze %dma_start3A_543 : memref<1x128x128xf32, #tpu.memory_space<vmem>> -> memref<128x128xf32, #tpu.memory_space<vmem>>
        %dma_start3A_545 = arith.constant 0 : i32
        %dma_start3A_546 = tpu.memref_slice %arg7[%dma_start3A_539, %dma_start3A_545] : memref<4x128xi32, #tpu.memory_space<vmem>> -> memref<1x128xi32, #tpu.memory_space<vmem>>
        %dma_start3A_547 = tpu.memref_squeeze %dma_start3A_546 : memref<1x128xi32, #tpu.memory_space<vmem>> -> memref<128xi32, #tpu.memory_space<vmem>>
        %dma_start3A_548 = arith.constant 0 : i32
        %dma_start3A_549 = arith.constant 0 : i32
        %dma_start3A_550 = tpu.memref_slice %arg4[%dma_start3A_548, %dma_start3A_549] : memref<100000x128xf32, #tpu.memory_space<hbm>> -> memref<100000x128xf32, #tpu.memory_space<hbm>>
        tpu.enqueue_indirect_dma source(%dma_start3A_550 : memref<100000x128xf32, #tpu.memory_space<hbm>>) target(%dma_start3A_544 : memref<128x128xf32, #tpu.memory_space<vmem>>) offsets(%dma_start3A_547 : memref<128xi32, #tpu.memory_space<vmem>>) semaphore(%arg18 : memref<!tpu.dma_semaphore, #tpu.memory_space<semaphore_mem>>)
      } else {
      }
      %mul3A_344 = arith.constant 4 : i32
      %mul3A_345 = arith.muli %scan3A_287, %mul3A_344 : i32
      %add3A_346 = arith.constant 1 : i32
      %add3A_347 = arith.addi %mul3A_345, %add3A_346 : i32
      %dma_wait3A_348 = arith.constant 1 : i32
      %dma_wait3A_349 = arith.constant 1 : i32
      %dma_wait3A_350 = arith.constant 0 : i32
      %dma_wait3A_351 = arith.constant 0 : i32
      %dma_wait3A_352 = tpu.memref_slice %arg8[%dma_wait3A_349, %dma_wait3A_350, %dma_wait3A_351] : memref<4x128x128xf32, #tpu.memory_space<vmem>> -> memref<1x128x128xf32, #tpu.memory_space<vmem>>
      %dma_wait3A_353 = tpu.memref_squeeze %dma_wait3A_352 : memref<1x128x128xf32, #tpu.memory_space<vmem>> -> memref<128x128xf32, #tpu.memory_space<vmem>>
      %dma_wait3A_354 = arith.constant 0 : i32
      %dma_wait3A_355 = tpu.memref_slice %arg7[%dma_wait3A_348, %dma_wait3A_354] : memref<4x128xi32, #tpu.memory_space<vmem>> -> memref<1x128xi32, #tpu.memory_space<vmem>>
      %dma_wait3A_356 = tpu.memref_squeeze %dma_wait3A_355 : memref<1x128xi32, #tpu.memory_space<vmem>> -> memref<128xi32, #tpu.memory_space<vmem>>
      %dma_wait3A_357 = arith.constant 0 : i32
      %dma_wait3A_358 = arith.constant 0 : i32
      %dma_wait3A_359 = tpu.memref_slice %arg4[%dma_wait3A_357, %dma_wait3A_358] : memref<100000x128xf32, #tpu.memory_space<hbm>> -> memref<100000x128xf32, #tpu.memory_space<hbm>>
      tpu.wait_indirect_dma semaphore(%arg17 : memref<!tpu.dma_semaphore, #tpu.memory_space<semaphore_mem>>) src(%dma_wait3A_359 : memref<100000x128xf32, #tpu.memory_space<hbm>>) dst(%dma_wait3A_353 : memref<128x128xf32, #tpu.memory_space<vmem>>)
      %scan3A_360 = arith.constant 0 : i32
      %scan3A_361 = arith.constant 0 : i32
      %scan3A_362 = arith.constant 128 : i32
      %scan3A_363 = arith.addi %scan3A_361, %scan3A_362 : i32
      %scan3A_364 = arith.constant 1 : i32
      scf.for %scan3A_521 = %scan3A_361 to %scan3A_363 step %scan3A_364  : i32 {
        %get3A = arith.constant 1 : i32
        %get3A_522 = arith.index_cast %get3A : i32 to index
        %get3A_523 = arith.index_cast %scan3A_521 : i32 to index
        %get3A_524 = arith.constant 0 : index
        %get3A_525 = tpu.vector_load %arg8[%get3A_522, %get3A_523, %get3A_524] {strides = array<i32>} : memref<4x128x128xf32, #tpu.memory_space<vmem>>, vector<1x1x16xf32>,
        %get3A_526 = vector.shape_cast %get3A_525 : vector<1x1x16xf32> to vector<16xf32>
        %mul3A_527 = arith.constant 0.0883883461 : f32
        %mul3A_528 = vector.broadcast %mul3A_527 : f32 to vector<16xf32>
        %mul3A_529 = arith.mulf %get3A_526, %mul3A_528 : vector<16xf32>
        %swap3A = arith.constant 1 : i32
        %swap3A_530 = arith.index_cast %swap3A : i32 to index
        %swap3A_531 = arith.index_cast %scan3A_521 : i32 to index
        %swap3A_532 = arith.constant 0 : index
        %swap3A_533 = tpu.vector_load %arg8[%swap3A_530, %swap3A_531, %swap3A_532] {strides = array<i32>} : memref<4x128x128xf32, #tpu.memory_space<vmem>>, vector<1x1x16xf32>,
        %swap3A_534 = vector.shape_cast %swap3A_533 : vector<1x1x16xf32> to vector<16xf32>
        %swap3A_535 = vector.shape_cast %mul3A_529 : vector<16xf32> to vector<1x1x16xf32>
        tpu.vector_store %arg8[%swap3A_530, %swap3A_531, %swap3A_532], %swap3A_535 {strides = array<i32>} : memref<4x128x128xf32, #tpu.memory_space<vmem>>, vector<1x1x16xf32>,
        %get3A_536 = arith.constant 1 : i32
        %get3A_537 = arith.index_cast %get3A_536 : i32 to index
        %get3A_538 = arith.index_cast %scan3A_521 : i32 to index
        %get3A_539 = arith.constant 16 : index
        %get3A_540 = tpu.vector_load %arg8[%get3A_537, %get3A_538, %get3A_539] {strides = array<i32>} : memref<4x128x128xf32, #tpu.memory_space<vmem>>, vector<1x1x16xf32>,
        %get3A_541 = vector.shape_cast %get3A_540 : vector<1x1x16xf32> to vector<16xf32>
        %mul3A_542 = arith.constant 0.0883883461 : f32
        %mul3A_543 = vector.broadcast %mul3A_542 : f32 to vector<16xf32>
        %mul3A_544 = arith.mulf %get3A_541, %mul3A_543 : vector<16xf32>
        %swap3A_545 = arith.constant 1 : i32
        %swap3A_546 = arith.index_cast %swap3A_545 : i32 to index
        %swap3A_547 = arith.index_cast %scan3A_521 : i32 to index
        %swap3A_548 = arith.constant 16 : index
        %swap3A_549 = tpu.vector_load %arg8[%swap3A_546, %swap3A_547, %swap3A_548] {strides = array<i32>} : memref<4x128x128xf32, #tpu.memory_space<vmem>>, vector<1x1x16xf32>,
        %swap3A_550 = vector.shape_cast %swap3A_549 : vector<1x1x16xf32> to vector<16xf32>
        %swap3A_551 = vector.shape_cast %mul3A_544 : vector<16xf32> to vector<1x1x16xf32>
        tpu.vector_store %arg8[%swap3A_546, %swap3A_547, %swap3A_548], %swap3A_551 {strides = array<i32>} : memref<4x128x128xf32, #tpu.memory_space<vmem>>, vector<1x1x16xf32>,
        %get3A_552 = arith.constant 1 : i32
        %get3A_553 = arith.index_cast %get3A_552 : i32 to index
        %get3A_554 = arith.index_cast %scan3A_521 : i32 to index
        %get3A_555 = arith.constant 32 : index
        %get3A_556 = tpu.vector_load %arg8[%get3A_553, %get3A_554, %get3A_555] {strides = array<i32>} : memref<4x128x128xf32, #tpu.memory_space<vmem>>, vector<1x1x16xf32>,
        %get3A_557 = vector.shape_cast %get3A_556 : vector<1x1x16xf32> to vector<16xf32>
        %mul3A_558 = arith.constant 0.0883883461 : f32
        %mul3A_559 = vector.broadcast %mul3A_558 : f32 to vector<16xf32>
        %mul3A_560 = arith.mulf %get3A_557, %mul3A_559 : vector<16xf32>
        %swap3A_561 = arith.constant 1 : i32
        %swap3A_562 = arith.index_cast %swap3A_561 : i32 to index
        %swap3A_563 = arith.index_cast %scan3A_521 : i32 to index
        %swap3A_564 = arith.constant 32 : index
        %swap3A_565 = tpu.vector_load %arg8[%swap3A_562, %swap3A_563, %swap3A_564] {strides = array<i32>} : memref<4x128x128xf32, #tpu.memory_space<vmem>>, vector<1x1x16xf32>,
        %swap3A_566 = vector.shape_cast %swap3A_565 : vector<1x1x16xf32> to vector<16xf32>
        %swap3A_567 = vector.shape_cast %mul3A_560 : vector<16xf32> to vector<1x1x16xf32>
        tpu.vector_store %arg8[%swap3A_562, %swap3A_563, %swap3A_564], %swap3A_567 {strides = array<i32>} : memref<4x128x128xf32, #tpu.memory_space<vmem>>, vector<1x1x16xf32>,
        %get3A_568 = arith.constant 1 : i32
        %get3A_569 = arith.index_cast %get3A_568 : i32 to index
        %get3A_570 = arith.index_cast %scan3A_521 : i32 to index
        %get3A_571 = arith.constant 48 : index
        %get3A_572 = tpu.vector_load %arg8[%get3A_569, %get3A_570, %get3A_571] {strides = array<i32>} : memref<4x128x128xf32, #tpu.memory_space<vmem>>, vector<1x1x16xf32>,
        %get3A_573 = vector.shape_cast %get3A_572 : vector<1x1x16xf32> to vector<16xf32>
        %mul3A_574 = arith.constant 0.0883883461 : f32
        %mul3A_575 = vector.broadcast %mul3A_574 : f32 to vector<16xf32>
        %mul3A_576 = arith.mulf %get3A_573, %mul3A_575 : vector<16xf32>
        %swap3A_577 = arith.constant 1 : i32
        %swap3A_578 = arith.index_cast %swap3A_577 : i32 to index
        %swap3A_579 = arith.index_cast %scan3A_521 : i32 to index
        %swap3A_580 = arith.constant 48 : index
        %swap3A_581 = tpu.vector_load %arg8[%swap3A_578, %swap3A_579, %swap3A_580] {strides = array<i32>} : memref<4x128x128xf32, #tpu.memory_space<vmem>>, vector<1x1x16xf32>,
        %swap3A_582 = vector.shape_cast %swap3A_581 : vector<1x1x16xf32> to vector<16xf32>
        %swap3A_583 = vector.shape_cast %mul3A_576 : vector<16xf32> to vector<1x1x16xf32>
        tpu.vector_store %arg8[%swap3A_578, %swap3A_579, %swap3A_580], %swap3A_583 {strides = array<i32>} : memref<4x128x128xf32, #tpu.memory_space<vmem>>, vector<1x1x16xf32>,
        %get3A_584 = arith.constant 1 : i32
        %get3A_585 = arith.index_cast %get3A_584 : i32 to index
        %get3A_586 = arith.index_cast %scan3A_521 : i32 to index
        %get3A_587 = arith.constant 64 : index
        %get3A_588 = tpu.vector_load %arg8[%get3A_585, %get3A_586, %get3A_587] {strides = array<i32>} : memref<4x128x128xf32, #tpu.memory_space<vmem>>, vector<1x1x16xf32>,
        %get3A_589 = vector.shape_cast %get3A_588 : vector<1x1x16xf32> to vector<16xf32>
        %mul3A_590 = arith.constant 0.0883883461 : f32
        %mul3A_591 = vector.broadcast %mul3A_590 : f32 to vector<16xf32>
        %mul3A_592 = arith.mulf %get3A_589, %mul3A_591 : vector<16xf32>
        %swap3A_593 = arith.constant 1 : i32
        %swap3A_594 = arith.index_cast %swap3A_593 : i32 to index
        %swap3A_595 = arith.index_cast %scan3A_521 : i32 to index
        %swap3A_596 = arith.constant 64 : index
        %swap3A_597 = tpu.vector_load %arg8[%swap3A_594, %swap3A_595, %swap3A_596] {strides = array<i32>} : memref<4x128x128xf32, #tpu.memory_space<vmem>>, vector<1x1x16xf32>,
        %swap3A_598 = vector.shape_cast %swap3A_597 : vector<1x1x16xf32> to vector<16xf32>
        %swap3A_599 = vector.shape_cast %mul3A_592 : vector<16xf32> to vector<1x1x16xf32>
        tpu.vector_store %arg8[%swap3A_594, %swap3A_595, %swap3A_596], %swap3A_599 {strides = array<i32>} : memref<4x128x128xf32, #tpu.memory_space<vmem>>, vector<1x1x16xf32>,
        %get3A_600 = arith.constant 1 : i32
        %get3A_601 = arith.index_cast %get3A_600 : i32 to index
        %get3A_602 = arith.index_cast %scan3A_521 : i32 to index
        %get3A_603 = arith.constant 80 : index
        %get3A_604 = tpu.vector_load %arg8[%get3A_601, %get3A_602, %get3A_603] {strides = array<i32>} : memref<4x128x128xf32, #tpu.memory_space<vmem>>, vector<1x1x16xf32>,
        %get3A_605 = vector.shape_cast %get3A_604 : vector<1x1x16xf32> to vector<16xf32>
        %mul3A_606 = arith.constant 0.0883883461 : f32
        %mul3A_607 = vector.broadcast %mul3A_606 : f32 to vector<16xf32>
        %mul3A_608 = arith.mulf %get3A_605, %mul3A_607 : vector<16xf32>
        %swap3A_609 = arith.constant 1 : i32
        %swap3A_610 = arith.index_cast %swap3A_609 : i32 to index
        %swap3A_611 = arith.index_cast %scan3A_521 : i32 to index
        %swap3A_612 = arith.constant 80 : index
        %swap3A_613 = tpu.vector_load %arg8[%swap3A_610, %swap3A_611, %swap3A_612] {strides = array<i32>} : memref<4x128x128xf32, #tpu.memory_space<vmem>>, vector<1x1x16xf32>,
        %swap3A_614 = vector.shape_cast %swap3A_613 : vector<1x1x16xf32> to vector<16xf32>
        %swap3A_615 = vector.shape_cast %mul3A_608 : vector<16xf32> to vector<1x1x16xf32>
        tpu.vector_store %arg8[%swap3A_610, %swap3A_611, %swap3A_612], %swap3A_615 {strides = array<i32>} : memref<4x128x128xf32, #tpu.memory_space<vmem>>, vector<1x1x16xf32>,
        %get3A_616 = arith.constant 1 : i32
        %get3A_617 = arith.index_cast %get3A_616 : i32 to index
        %get3A_618 = arith.index_cast %scan3A_521 : i32 to index
        %get3A_619 = arith.constant 96 : index
        %get3A_620 = tpu.vector_load %arg8[%get3A_617, %get3A_618, %get3A_619] {strides = array<i32>} : memref<4x128x128xf32, #tpu.memory_space<vmem>>, vector<1x1x16xf32>,
        %get3A_621 = vector.shape_cast %get3A_620 : vector<1x1x16xf32> to vector<16xf32>
        %mul3A_622 = arith.constant 0.0883883461 : f32
        %mul3A_623 = vector.broadcast %mul3A_622 : f32 to vector<16xf32>
        %mul3A_624 = arith.mulf %get3A_621, %mul3A_623 : vector<16xf32>
        %swap3A_625 = arith.constant 1 : i32
        %swap3A_626 = arith.index_cast %swap3A_625 : i32 to index
        %swap3A_627 = arith.index_cast %scan3A_521 : i32 to index
        %swap3A_628 = arith.constant 96 : index
        %swap3A_629 = tpu.vector_load %arg8[%swap3A_626, %swap3A_627, %swap3A_628] {strides = array<i32>} : memref<4x128x128xf32, #tpu.memory_space<vmem>>, vector<1x1x16xf32>,
        %swap3A_630 = vector.shape_cast %swap3A_629 : vector<1x1x16xf32> to vector<16xf32>
        %swap3A_631 = vector.shape_cast %mul3A_624 : vector<16xf32> to vector<1x1x16xf32>
        tpu.vector_store %arg8[%swap3A_626, %swap3A_627, %swap3A_628], %swap3A_631 {strides = array<i32>} : memref<4x128x128xf32, #tpu.memory_space<vmem>>, vector<1x1x16xf32>,
        %get3A_632 = arith.constant 1 : i32
        %get3A_633 = arith.index_cast %get3A_632 : i32 to index
        %get3A_634 = arith.index_cast %scan3A_521 : i32 to index
        %get3A_635 = arith.constant 112 : index
        %get3A_636 = tpu.vector_load %arg8[%get3A_633, %get3A_634, %get3A_635] {strides = array<i32>} : memref<4x128x128xf32, #tpu.memory_space<vmem>>, vector<1x1x16xf32>,
        %get3A_637 = vector.shape_cast %get3A_636 : vector<1x1x16xf32> to vector<16xf32>
        %mul3A_638 = arith.constant 0.0883883461 : f32
        %mul3A_639 = vector.broadcast %mul3A_638 : f32 to vector<16xf32>
        %mul3A_640 = arith.mulf %get3A_637, %mul3A_639 : vector<16xf32>
        %swap3A_641 = arith.constant 1 : i32
        %swap3A_642 = arith.index_cast %swap3A_641 : i32 to index
        %swap3A_643 = arith.index_cast %scan3A_521 : i32 to index
        %swap3A_644 = arith.constant 112 : index
        %swap3A_645 = tpu.vector_load %arg8[%swap3A_642, %swap3A_643, %swap3A_644] {strides = array<i32>} : memref<4x128x128xf32, #tpu.memory_space<vmem>>, vector<1x1x16xf32>,
        %swap3A_646 = vector.shape_cast %swap3A_645 : vector<1x1x16xf32> to vector<16xf32>
        %swap3A_647 = vector.shape_cast %mul3A_640 : vector<16xf32> to vector<1x1x16xf32>
        tpu.vector_store %arg8[%swap3A_642, %swap3A_643, %swap3A_644], %swap3A_647 {strides = array<i32>} : memref<4x128x128xf32, #tpu.memory_space<vmem>>, vector<1x1x16xf32>,
      }
      %scan3A_365 = arith.constant 128 : i32
      %add3A_366 = arith.addi %mul3A_4, %add3A_347 : i32
      %mul3A_367 = arith.constant 128 : i32
      %mul3A_368 = arith.muli %add3A_366, %mul3A_367 : i32
      %add3A_369 = arith.constant 4096 : i32
      %add3A_370 = arith.addi %add3A_369, %mul3A_368 : i32
      %multiple_of3A_371 = tpu.assume_multiple %add3A_370, 128 : i32
      %dma_start3A_372 = arith.constant 1 : i32
      %dma_start3A_373 = arith.constant 0 : i32
      %dma_start3A_374 = arith.constant 0 : i32
      %dma_start3A_375 = tpu.memref_slice %arg8[%dma_start3A_372, %dma_start3A_373, %dma_start3A_374] : memref<4x128x128xf32, #tpu.memory_space<vmem>> -> memref<1x128x128xf32, #tpu.memory_space<vmem>>
      %dma_start3A_376 = tpu.memref_squeeze %dma_start3A_375 : memref<1x128x128xf32, #tpu.memory_space<vmem>> -> memref<128x128xf32, #tpu.memory_space<vmem>>
      %dma_start3A_377 = arith.constant 0 : i32
      %dma_start3A_378 = tpu.memref_slice %arg6[%multiple_of3A_371, %dma_start3A_377] : memref<823296x128xf32, #tpu.memory_space<hbm>> -> memref<128x128xf32, #tpu.memory_space<hbm>>
      %dma_start3A_379 = arith.constant 0 : i32
      %dma_start3A_380 = tpu.memref_slice %arg6[%multiple_of3A_371, %dma_start3A_379] : memref<823296x128xf32, #tpu.memory_space<hbm>> -> memref<128x128xf32, #tpu.memory_space<hbm>>
      %dma_start3A_381 = arith.constant 0 : i32
      %dma_start3A_382 = arith.constant 0 : i32
      %dma_start3A_383 = tpu.memref_slice %arg8[%dma_start3A_372, %dma_start3A_381, %dma_start3A_382] : memref<4x128x128xf32, #tpu.memory_space<vmem>> -> memref<1x128x128xf32, #tpu.memory_space<vmem>>
      %dma_start3A_384 = tpu.memref_squeeze %dma_start3A_383 : memref<1x128x128xf32, #tpu.memory_space<vmem>> -> memref<128x128xf32, #tpu.memory_space<vmem>>
      tpu.enqueue_dma source(%dma_start3A_384 : memref<128x128xf32, #tpu.memory_space<vmem>>) target(%dma_start3A_380 : memref<128x128xf32, #tpu.memory_space<hbm>>) target_semaphore(%arg21 : memref<!tpu.dma_semaphore, #tpu.memory_space<semaphore_mem>>)
      %add3A_385 = arith.constant 4 : i32
      %add3A_386 = arith.addi %add3A_347, %add3A_385 : i32
      %sub3A_387 = arith.constant 1 : i32
      %sub3A_388 = arith.subi %add3A_386, %sub3A_387 : i32
      %lt3A_389 = arith.constant 200 : i32
      %lt3A_390 = arith.cmpi slt, %sub3A_388, %lt3A_389 : i32
      %convert_element_type3A_391 = arith.extui %lt3A_390 : i1 to i32
      %cond3A_392 = arith.constant 0 : i32
      %cond3A_393 = arith.cmpi ne, %convert_element_type3A_391, %cond3A_392 : i32
      scf.if %cond3A_393 {
        %add3A_521 = arith.constant 4 : i32
        %add3A_522 = arith.addi %add3A_347, %add3A_521 : i32
        %sub3A_523 = arith.constant 1 : i32
        %sub3A_524 = arith.subi %add3A_522, %sub3A_523 : i32
        %add3A_525 = arith.addi %mul3A_4, %sub3A_524 : i32
        %jit3A_526 = arith.constant 32 : i32
        %div3A_527 = arith.divsi %add3A_525, %jit3A_526 : i32
        %sign3A_528 = arith.constant 0 : i32
        %sign3A_529 = arith.cmpi sgt, %add3A_525, %sign3A_528 : i32
        %sign3A_530 = arith.extui %sign3A_529 : i1 to i32
        %sign3A_531 = arith.constant 0 : i32
        %sign3A_532 = arith.cmpi slt, %add3A_525, %sign3A_531 : i32
        %sign3A_533 = arith.extui %sign3A_532 : i1 to i32
        %sign3A_534 = arith.subi %sign3A_530, %sign3A_533 : i32
        %sign3A_535 = arith.constant 0 : i32
        %sign3A_536 = arith.cmpi sgt, %jit3A_526, %sign3A_535 : i32
        %sign3A_537 = arith.extui %sign3A_536 : i1 to i32
        %sign3A_538 = arith.constant 0 : i32
        %sign3A_539 = arith.cmpi slt, %jit3A_526, %sign3A_538 : i32
        %sign3A_540 = arith.extui %sign3A_539 : i1 to i32
        %sign3A_541 = arith.subi %sign3A_537, %sign3A_540 : i32
        %ne3A_542 = arith.cmpi ne, %sign3A_534, %sign3A_541 : i32
        %rem3A_543 = arith.remsi %add3A_525, %jit3A_526 : i32
        %ne3A_544 = arith.constant 0 : i32
        %ne3A_545 = arith.cmpi ne, %rem3A_543, %ne3A_544 : i32
        %and3A_546 = arith.andi %ne3A_542, %ne3A_545 : i1
        %sub3A_547 = arith.constant 1 : i32
        %sub3A_548 = arith.subi %div3A_527, %sub3A_547 : i32
        %select_n3A_549 = arith.select %and3A_546, %sub3A_548, %div3A_527 : i32
        %jit3A_550 = arith.constant 32 : i32
        %eq3A_551 = arith.constant 0 : i32
        %eq3A_552 = arith.cmpi eq, %jit3A_550, %eq3A_551 : i32
        %jit3A_553 = arith.constant 1 : i32
        %select_n3A_554 = arith.select %eq3A_552, %jit3A_553, %jit3A_550 : i32
        %rem3A_555 = arith.remsi %add3A_525, %select_n3A_554 : i32
        %ne3A_556 = arith.constant 0 : i32
        %ne3A_557 = arith.cmpi ne, %rem3A_555, %ne3A_556 : i32
        %lt3A_558 = arith.constant 0 : i32
        %lt3A_559 = arith.cmpi slt, %rem3A_555, %lt3A_558 : i32
        %lt3A_560 = arith.constant 0 : i32
        %lt3A_561 = arith.cmpi slt, %select_n3A_554, %lt3A_560 : i32
        %ne3A_562 = arith.xori %lt3A_559, %lt3A_561 : i1
        %and3A_563 = arith.andi %ne3A_562, %ne3A_557 : i1
        %add3A_564 = arith.addi %rem3A_555, %select_n3A_554 : i32
        %select_n3A_565 = arith.select %and3A_563, %add3A_564, %rem3A_555 : i32
        %mul3A_566 = arith.constant 128 : i32
        %mul3A_567 = arith.muli %select_n3A_565, %mul3A_566 : i32
        %dma_start3A_568 = arith.constant 0 : i32
        %dma_start3A_569 = arith.constant 0 : i32
        %dma_start3A_570 = tpu.memref_slice %arg7[%dma_start3A_568, %dma_start3A_569] : memref<4x128xi32, #tpu.memory_space<vmem>> -> memref<1x128xi32, #tpu.memory_space<vmem>>
        %dma_start3A_571 = tpu.memref_squeeze %dma_start3A_570 : memref<1x128xi32, #tpu.memory_space<vmem>> -> memref<128xi32, #tpu.memory_space<vmem>>
        %dma_start3A_572 = tpu.memref_slice %arg2[%select_n3A_549, %mul3A_567] : memref<200x4096xi32, #tpu.memory_space<hbm>> -> memref<1x128xi32, #tpu.memory_space<hbm>>
        %dma_start3A_573 = tpu.memref_squeeze %dma_start3A_572 : memref<1x128xi32, #tpu.memory_space<hbm>> -> memref<128xi32, #tpu.memory_space<hbm>>
        %dma_start3A_574 = arith.constant 0 : i32
        %dma_start3A_575 = tpu.memref_slice %arg7[%dma_start3A_568, %dma_start3A_574] : memref<4x128xi32, #tpu.memory_space<vmem>> -> memref<1x128xi32, #tpu.memory_space<vmem>>
        %dma_start3A_576 = tpu.memref_squeeze %dma_start3A_575 : memref<1x128xi32, #tpu.memory_space<vmem>> -> memref<128xi32, #tpu.memory_space<vmem>>
        %dma_start3A_577 = tpu.memref_slice %arg2[%select_n3A_549, %mul3A_567] : memref<200x4096xi32, #tpu.memory_space<hbm>> -> memref<1x128xi32, #tpu.memory_space<hbm>>
        %dma_start3A_578 = tpu.memref_squeeze %dma_start3A_577 : memref<1x128xi32, #tpu.memory_space<hbm>> -> memref<128xi32, #tpu.memory_space<hbm>>
        tpu.enqueue_dma source(%dma_start3A_578 : memref<128xi32, #tpu.memory_space<hbm>>) target(%dma_start3A_576 : memref<128xi32, #tpu.memory_space<vmem>>) target_semaphore(%arg12 : memref<!tpu.dma_semaphore, #tpu.memory_space<semaphore_mem>>)
      } else {
      }
      %add3A_394 = arith.constant 4 : i32
      %add3A_395 = arith.addi %add3A_347, %add3A_394 : i32
      %sub3A_396 = arith.constant 2 : i32
      %sub3A_397 = arith.subi %add3A_395, %sub3A_396 : i32
      %lt3A_398 = arith.constant 200 : i32
      %lt3A_399 = arith.cmpi slt, %sub3A_397, %lt3A_398 : i32
      %convert_element_type3A_400 = arith.extui %lt3A_399 : i1 to i32
      %cond3A_401 = arith.constant 0 : i32
      %cond3A_402 = arith.cmpi ne, %convert_element_type3A_400, %cond3A_401 : i32
      scf.if %cond3A_402 {
        %ge3A = arith.constant 2 : i32
        %ge3A_521 = arith.cmpi sge, %add3A_347, %ge3A : i32
        %convert_element_type3A_522 = arith.extui %ge3A_521 : i1 to i32
        %cond3A_523 = arith.constant 0 : i32
        %cond3A_524 = arith.cmpi ne, %convert_element_type3A_522, %cond3A_523 : i32
        scf.if %cond3A_524 {
          %dma_wait3A_551 = arith.constant 3 : i32
          %dma_wait3A_552 = arith.constant 0 : i32
          %dma_wait3A_553 = arith.constant 0 : i32
          %dma_wait3A_554 = tpu.memref_slice %arg8[%dma_wait3A_551, %dma_wait3A_552, %dma_wait3A_553] : memref<4x128x128xf32, #tpu.memory_space<vmem>> -> memref<1x128x128xf32, #tpu.memory_space<vmem>>
          %dma_wait3A_555 = tpu.memref_squeeze %dma_wait3A_554 : memref<1x128x128xf32, #tpu.memory_space<vmem>> -> memref<128x128xf32, #tpu.memory_space<vmem>>
          %dma_wait3A_556 = arith.constant 0 : i32
          %dma_wait3A_557 = arith.constant 0 : i32
          %dma_wait3A_558 = tpu.memref_slice %arg6[%dma_wait3A_556, %dma_wait3A_557] : memref<823296x128xf32, #tpu.memory_space<hbm>> -> memref<128x128xf32, #tpu.memory_space<hbm>>
          %dma_wait3A_559 = arith.constant 0 : i32
          %dma_wait3A_560 = arith.constant 0 : i32
          %dma_wait3A_561 = tpu.memref_slice %arg6[%dma_wait3A_559, %dma_wait3A_560] : memref<823296x128xf32, #tpu.memory_space<hbm>> -> memref<128x128xf32, #tpu.memory_space<hbm>>
          %dma_wait3A_562 = arith.constant 0 : i32
          %dma_wait3A_563 = arith.constant 0 : i32
          %dma_wait3A_564 = tpu.memref_slice %arg8[%dma_wait3A_551, %dma_wait3A_562, %dma_wait3A_563] : memref<4x128x128xf32, #tpu.memory_space<vmem>> -> memref<1x128x128xf32, #tpu.memory_space<vmem>>
          %dma_wait3A_565 = tpu.memref_squeeze %dma_wait3A_564 : memref<1x128x128xf32, #tpu.memory_space<vmem>> -> memref<128x128xf32, #tpu.memory_space<vmem>>
          tpu.wait_dma2 semaphore(%arg23 : memref<!tpu.dma_semaphore, #tpu.memory_space<semaphore_mem>>) src(%dma_wait3A_565 : memref<128x128xf32, #tpu.memory_space<vmem>>) dst(%dma_wait3A_561 : memref<128x128xf32, #tpu.memory_space<hbm>>)
        } else {
        }
        %dma_wait3A_525 = arith.constant 0 : i32
        %dma_wait3A_526 = arith.constant 3 : i32
        %dma_wait3A_527 = arith.constant 0 : i32
        %dma_wait3A_528 = tpu.memref_slice %arg7[%dma_wait3A_526, %dma_wait3A_527] : memref<4x128xi32, #tpu.memory_space<vmem>> -> memref<1x128xi32, #tpu.memory_space<vmem>>
        %dma_wait3A_529 = tpu.memref_squeeze %dma_wait3A_528 : memref<1x128xi32, #tpu.memory_space<vmem>> -> memref<128xi32, #tpu.memory_space<vmem>>
        %dma_wait3A_530 = arith.constant 0 : i32
        %dma_wait3A_531 = tpu.memref_slice %arg2[%dma_wait3A_525, %dma_wait3A_530] : memref<200x4096xi32, #tpu.memory_space<hbm>> -> memref<1x128xi32, #tpu.memory_space<hbm>>
        %dma_wait3A_532 = tpu.memref_squeeze %dma_wait3A_531 : memref<1x128xi32, #tpu.memory_space<hbm>> -> memref<128xi32, #tpu.memory_space<hbm>>
        %dma_wait3A_533 = arith.constant 0 : i32
        %dma_wait3A_534 = tpu.memref_slice %arg7[%dma_wait3A_526, %dma_wait3A_533] : memref<4x128xi32, #tpu.memory_space<vmem>> -> memref<1x128xi32, #tpu.memory_space<vmem>>
        %dma_wait3A_535 = tpu.memref_squeeze %dma_wait3A_534 : memref<1x128xi32, #tpu.memory_space<vmem>> -> memref<128xi32, #tpu.memory_space<vmem>>
        %dma_wait3A_536 = arith.constant 0 : i32
        %dma_wait3A_537 = tpu.memref_slice %arg2[%dma_wait3A_525, %dma_wait3A_536] : memref<200x4096xi32, #tpu.memory_space<hbm>> -> memref<1x128xi32, #tpu.memory_space<hbm>>
        %dma_wait3A_538 = tpu.memref_squeeze %dma_wait3A_537 : memref<1x128xi32, #tpu.memory_space<hbm>> -> memref<128xi32, #tpu.memory_space<hbm>>
        tpu.wait_dma2 semaphore(%arg15 : memref<!tpu.dma_semaphore, #tpu.memory_space<semaphore_mem>>) src(%dma_wait3A_538 : memref<128xi32, #tpu.memory_space<hbm>>) dst(%dma_wait3A_535 : memref<128xi32, #tpu.memory_space<vmem>>)
        %dma_start3A_539 = arith.constant 3 : i32
        %dma_start3A_540 = arith.constant 3 : i32
        %dma_start3A_541 = arith.constant 0 : i32
        %dma_start3A_542 = arith.constant 0 : i32
        %dma_start3A_543 = tpu.memref_slice %arg8[%dma_start3A_540, %dma_start3A_541, %dma_start3A_542] : memref<4x128x128xf32, #tpu.memory_space<vmem>> -> memref<1x128x128xf32, #tpu.memory_space<vmem>>
        %dma_start3A_544 = tpu.memref_squeeze %dma_start3A_543 : memref<1x128x128xf32, #tpu.memory_space<vmem>> -> memref<128x128xf32, #tpu.memory_space<vmem>>
        %dma_start3A_545 = arith.constant 0 : i32
        %dma_start3A_546 = tpu.memref_slice %arg7[%dma_start3A_539, %dma_start3A_545] : memref<4x128xi32, #tpu.memory_space<vmem>> -> memref<1x128xi32, #tpu.memory_space<vmem>>
        %dma_start3A_547 = tpu.memref_squeeze %dma_start3A_546 : memref<1x128xi32, #tpu.memory_space<vmem>> -> memref<128xi32, #tpu.memory_space<vmem>>
        %dma_start3A_548 = arith.constant 0 : i32
        %dma_start3A_549 = arith.constant 0 : i32
        %dma_start3A_550 = tpu.memref_slice %arg4[%dma_start3A_548, %dma_start3A_549] : memref<100000x128xf32, #tpu.memory_space<hbm>> -> memref<100000x128xf32, #tpu.memory_space<hbm>>
        tpu.enqueue_indirect_dma source(%dma_start3A_550 : memref<100000x128xf32, #tpu.memory_space<hbm>>) target(%dma_start3A_544 : memref<128x128xf32, #tpu.memory_space<vmem>>) offsets(%dma_start3A_547 : memref<128xi32, #tpu.memory_space<vmem>>) semaphore(%arg19 : memref<!tpu.dma_semaphore, #tpu.memory_space<semaphore_mem>>)
      } else {
      }
      %mul3A_403 = arith.constant 4 : i32
      %mul3A_404 = arith.muli %scan3A_287, %mul3A_403 : i32
      %add3A_405 = arith.constant 2 : i32
      %add3A_406 = arith.addi %mul3A_404, %add3A_405 : i32
      %dma_wait3A_407 = arith.constant 2 : i32
      %dma_wait3A_408 = arith.constant 2 : i32
      %dma_wait3A_409 = arith.constant 0 : i32
      %dma_wait3A_410 = arith.constant 0 : i32
      %dma_wait3A_411 = tpu.memref_slice %arg8[%dma_wait3A_408, %dma_wait3A_409, %dma_wait3A_410] : memref<4x128x128xf32, #tpu.memory_space<vmem>> -> memref<1x128x128xf32, #tpu.memory_space<vmem>>
      %dma_wait3A_412 = tpu.memref_squeeze %dma_wait3A_411 : memref<1x128x128xf32, #tpu.memory_space<vmem>> -> memref<128x128xf32, #tpu.memory_space<vmem>>
      %dma_wait3A_413 = arith.constant 0 : i32
      %dma_wait3A_414 = tpu.memref_slice %arg7[%dma_wait3A_407, %dma_wait3A_413] : memref<4x128xi32, #tpu.memory_space<vmem>> -> memref<1x128xi32, #tpu.memory_space<vmem>>
      %dma_wait3A_415 = tpu.memref_squeeze %dma_wait3A_414 : memref<1x128xi32, #tpu.memory_space<vmem>> -> memref<128xi32, #tpu.memory_space<vmem>>
      %dma_wait3A_416 = arith.constant 0 : i32
      %dma_wait3A_417 = arith.constant 0 : i32
      %dma_wait3A_418 = tpu.memref_slice %arg4[%dma_wait3A_416, %dma_wait3A_417] : memref<100000x128xf32, #tpu.memory_space<hbm>> -> memref<100000x128xf32, #tpu.memory_space<hbm>>
      tpu.wait_indirect_dma semaphore(%arg18 : memref<!tpu.dma_semaphore, #tpu.memory_space<semaphore_mem>>) src(%dma_wait3A_418 : memref<100000x128xf32, #tpu.memory_space<hbm>>) dst(%dma_wait3A_412 : memref<128x128xf32, #tpu.memory_space<vmem>>)
      %scan3A_419 = arith.constant 0 : i32
      %scan3A_420 = arith.constant 0 : i32
      %scan3A_421 = arith.constant 128 : i32
      %scan3A_422 = arith.addi %scan3A_420, %scan3A_421 : i32
      %scan3A_423 = arith.constant 1 : i32
      scf.for %scan3A_521 = %scan3A_420 to %scan3A_422 step %scan3A_423  : i32 {
        %get3A = arith.constant 2 : i32
        %get3A_522 = arith.index_cast %get3A : i32 to index
        %get3A_523 = arith.index_cast %scan3A_521 : i32 to index
        %get3A_524 = arith.constant 0 : index
        %get3A_525 = tpu.vector_load %arg8[%get3A_522, %get3A_523, %get3A_524] {strides = array<i32>} : memref<4x128x128xf32, #tpu.memory_space<vmem>>, vector<1x1x16xf32>,
        %get3A_526 = vector.shape_cast %get3A_525 : vector<1x1x16xf32> to vector<16xf32>
        %mul3A_527 = arith.constant 0.0883883461 : f32
        %mul3A_528 = vector.broadcast %mul3A_527 : f32 to vector<16xf32>
        %mul3A_529 = arith.mulf %get3A_526, %mul3A_528 : vector<16xf32>
        %swap3A = arith.constant 2 : i32
        %swap3A_530 = arith.index_cast %swap3A : i32 to index
        %swap3A_531 = arith.index_cast %scan3A_521 : i32 to index
        %swap3A_532 = arith.constant 0 : index
        %swap3A_533 = tpu.vector_load %arg8[%swap3A_530, %swap3A_531, %swap3A_532] {strides = array<i32>} : memref<4x128x128xf32, #tpu.memory_space<vmem>>, vector<1x1x16xf32>,
        %swap3A_534 = vector.shape_cast %swap3A_533 : vector<1x1x16xf32> to vector<16xf32>
        %swap3A_535 = vector.shape_cast %mul3A_529 : vector<16xf32> to vector<1x1x16xf32>
        tpu.vector_store %arg8[%swap3A_530, %swap3A_531, %swap3A_532], %swap3A_535 {strides = array<i32>} : memref<4x128x128xf32, #tpu.memory_space<vmem>>, vector<1x1x16xf32>,
        %get3A_536 = arith.constant 2 : i32
        %get3A_537 = arith.index_cast %get3A_536 : i32 to index
        %get3A_538 = arith.index_cast %scan3A_521 : i32 to index
        %get3A_539 = arith.constant 16 : index
        %get3A_540 = tpu.vector_load %arg8[%get3A_537, %get3A_538, %get3A_539] {strides = array<i32>} : memref<4x128x128xf32, #tpu.memory_space<vmem>>, vector<1x1x16xf32>,
        %get3A_541 = vector.shape_cast %get3A_540 : vector<1x1x16xf32> to vector<16xf32>
        %mul3A_542 = arith.constant 0.0883883461 : f32
        %mul3A_543 = vector.broadcast %mul3A_542 : f32 to vector<16xf32>
        %mul3A_544 = arith.mulf %get3A_541, %mul3A_543 : vector<16xf32>
        %swap3A_545 = arith.constant 2 : i32
        %swap3A_546 = arith.index_cast %swap3A_545 : i32 to index
        %swap3A_547 = arith.index_cast %scan3A_521 : i32 to index
        %swap3A_548 = arith.constant 16 : index
        %swap3A_549 = tpu.vector_load %arg8[%swap3A_546, %swap3A_547, %swap3A_548] {strides = array<i32>} : memref<4x128x128xf32, #tpu.memory_space<vmem>>, vector<1x1x16xf32>,
        %swap3A_550 = vector.shape_cast %swap3A_549 : vector<1x1x16xf32> to vector<16xf32>
        %swap3A_551 = vector.shape_cast %mul3A_544 : vector<16xf32> to vector<1x1x16xf32>
        tpu.vector_store %arg8[%swap3A_546, %swap3A_547, %swap3A_548], %swap3A_551 {strides = array<i32>} : memref<4x128x128xf32, #tpu.memory_space<vmem>>, vector<1x1x16xf32>,
        %get3A_552 = arith.constant 2 : i32
        %get3A_553 = arith.index_cast %get3A_552 : i32 to index
        %get3A_554 = arith.index_cast %scan3A_521 : i32 to index
        %get3A_555 = arith.constant 32 : index
        %get3A_556 = tpu.vector_load %arg8[%get3A_553, %get3A_554, %get3A_555] {strides = array<i32>} : memref<4x128x128xf32, #tpu.memory_space<vmem>>, vector<1x1x16xf32>,
        %get3A_557 = vector.shape_cast %get3A_556 : vector<1x1x16xf32> to vector<16xf32>
        %mul3A_558 = arith.constant 0.0883883461 : f32
        %mul3A_559 = vector.broadcast %mul3A_558 : f32 to vector<16xf32>
        %mul3A_560 = arith.mulf %get3A_557, %mul3A_559 : vector<16xf32>
        %swap3A_561 = arith.constant 2 : i32
        %swap3A_562 = arith.index_cast %swap3A_561 : i32 to index
        %swap3A_563 = arith.index_cast %scan3A_521 : i32 to index
        %swap3A_564 = arith.constant 32 : index
        %swap3A_565 = tpu.vector_load %arg8[%swap3A_562, %swap3A_563, %swap3A_564] {strides = array<i32>} : memref<4x128x128xf32, #tpu.memory_space<vmem>>, vector<1x1x16xf32>,
        %swap3A_566 = vector.shape_cast %swap3A_565 : vector<1x1x16xf32> to vector<16xf32>
        %swap3A_567 = vector.shape_cast %mul3A_560 : vector<16xf32> to vector<1x1x16xf32>
        tpu.vector_store %arg8[%swap3A_562, %swap3A_563, %swap3A_564], %swap3A_567 {strides = array<i32>} : memref<4x128x128xf32, #tpu.memory_space<vmem>>, vector<1x1x16xf32>,
        %get3A_568 = arith.constant 2 : i32
        %get3A_569 = arith.index_cast %get3A_568 : i32 to index
        %get3A_570 = arith.index_cast %scan3A_521 : i32 to index
        %get3A_571 = arith.constant 48 : index
        %get3A_572 = tpu.vector_load %arg8[%get3A_569, %get3A_570, %get3A_571] {strides = array<i32>} : memref<4x128x128xf32, #tpu.memory_space<vmem>>, vector<1x1x16xf32>,
        %get3A_573 = vector.shape_cast %get3A_572 : vector<1x1x16xf32> to vector<16xf32>
        %mul3A_574 = arith.constant 0.0883883461 : f32
        %mul3A_575 = vector.broadcast %mul3A_574 : f32 to vector<16xf32>
        %mul3A_576 = arith.mulf %get3A_573, %mul3A_575 : vector<16xf32>
        %swap3A_577 = arith.constant 2 : i32
        %swap3A_578 = arith.index_cast %swap3A_577 : i32 to index
        %swap3A_579 = arith.index_cast %scan3A_521 : i32 to index
        %swap3A_580 = arith.constant 48 : index
        %swap3A_581 = tpu.vector_load %arg8[%swap3A_578, %swap3A_579, %swap3A_580] {strides = array<i32>} : memref<4x128x128xf32, #tpu.memory_space<vmem>>, vector<1x1x16xf32>,
        %swap3A_582 = vector.shape_cast %swap3A_581 : vector<1x1x16xf32> to vector<16xf32>
        %swap3A_583 = vector.shape_cast %mul3A_576 : vector<16xf32> to vector<1x1x16xf32>
        tpu.vector_store %arg8[%swap3A_578, %swap3A_579, %swap3A_580], %swap3A_583 {strides = array<i32>} : memref<4x128x128xf32, #tpu.memory_space<vmem>>, vector<1x1x16xf32>,
        %get3A_584 = arith.constant 2 : i32
        %get3A_585 = arith.index_cast %get3A_584 : i32 to index
        %get3A_586 = arith.index_cast %scan3A_521 : i32 to index
        %get3A_587 = arith.constant 64 : index
        %get3A_588 = tpu.vector_load %arg8[%get3A_585, %get3A_586, %get3A_587] {strides = array<i32>} : memref<4x128x128xf32, #tpu.memory_space<vmem>>, vector<1x1x16xf32>,
        %get3A_589 = vector.shape_cast %get3A_588 : vector<1x1x16xf32> to vector<16xf32>
        %mul3A_590 = arith.constant 0.0883883461 : f32
        %mul3A_591 = vector.broadcast %mul3A_590 : f32 to vector<16xf32>
        %mul3A_592 = arith.mulf %get3A_589, %mul3A_591 : vector<16xf32>
        %swap3A_593 = arith.constant 2 : i32
        %swap3A_594 = arith.index_cast %swap3A_593 : i32 to index
        %swap3A_595 = arith.index_cast %scan3A_521 : i32 to index
        %swap3A_596 = arith.constant 64 : index
        %swap3A_597 = tpu.vector_load %arg8[%swap3A_594, %swap3A_595, %swap3A_596] {strides = array<i32>} : memref<4x128x128xf32, #tpu.memory_space<vmem>>, vector<1x1x16xf32>,
        %swap3A_598 = vector.shape_cast %swap3A_597 : vector<1x1x16xf32> to vector<16xf32>
        %swap3A_599 = vector.shape_cast %mul3A_592 : vector<16xf32> to vector<1x1x16xf32>
        tpu.vector_store %arg8[%swap3A_594, %swap3A_595, %swap3A_596], %swap3A_599 {strides = array<i32>} : memref<4x128x128xf32, #tpu.memory_space<vmem>>, vector<1x1x16xf32>,
        %get3A_600 = arith.constant 2 : i32
        %get3A_601 = arith.index_cast %get3A_600 : i32 to index
        %get3A_602 = arith.index_cast %scan3A_521 : i32 to index
        %get3A_603 = arith.constant 80 : index
        %get3A_604 = tpu.vector_load %arg8[%get3A_601, %get3A_602, %get3A_603] {strides = array<i32>} : memref<4x128x128xf32, #tpu.memory_space<vmem>>, vector<1x1x16xf32>,
        %get3A_605 = vector.shape_cast %get3A_604 : vector<1x1x16xf32> to vector<16xf32>
        %mul3A_606 = arith.constant 0.0883883461 : f32
        %mul3A_607 = vector.broadcast %mul3A_606 : f32 to vector<16xf32>
        %mul3A_608 = arith.mulf %get3A_605, %mul3A_607 : vector<16xf32>
        %swap3A_609 = arith.constant 2 : i32
        %swap3A_610 = arith.index_cast %swap3A_609 : i32 to index
        %swap3A_611 = arith.index_cast %scan3A_521 : i32 to index
        %swap3A_612 = arith.constant 80 : index
        %swap3A_613 = tpu.vector_load %arg8[%swap3A_610, %swap3A_611, %swap3A_612] {strides = array<i32>} : memref<4x128x128xf32, #tpu.memory_space<vmem>>, vector<1x1x16xf32>,
        %swap3A_614 = vector.shape_cast %swap3A_613 : vector<1x1x16xf32> to vector<16xf32>
        %swap3A_615 = vector.shape_cast %mul3A_608 : vector<16xf32> to vector<1x1x16xf32>
        tpu.vector_store %arg8[%swap3A_610, %swap3A_611, %swap3A_612], %swap3A_615 {strides = array<i32>} : memref<4x128x128xf32, #tpu.memory_space<vmem>>, vector<1x1x16xf32>,
        %get3A_616 = arith.constant 2 : i32
        %get3A_617 = arith.index_cast %get3A_616 : i32 to index
        %get3A_618 = arith.index_cast %scan3A_521 : i32 to index
        %get3A_619 = arith.constant 96 : index
        %get3A_620 = tpu.vector_load %arg8[%get3A_617, %get3A_618, %get3A_619] {strides = array<i32>} : memref<4x128x128xf32, #tpu.memory_space<vmem>>, vector<1x1x16xf32>,
        %get3A_621 = vector.shape_cast %get3A_620 : vector<1x1x16xf32> to vector<16xf32>
        %mul3A_622 = arith.constant 0.0883883461 : f32
        %mul3A_623 = vector.broadcast %mul3A_622 : f32 to vector<16xf32>
        %mul3A_624 = arith.mulf %get3A_621, %mul3A_623 : vector<16xf32>
        %swap3A_625 = arith.constant 2 : i32
        %swap3A_626 = arith.index_cast %swap3A_625 : i32 to index
        %swap3A_627 = arith.index_cast %scan3A_521 : i32 to index
        %swap3A_628 = arith.constant 96 : index
        %swap3A_629 = tpu.vector_load %arg8[%swap3A_626, %swap3A_627, %swap3A_628] {strides = array<i32>} : memref<4x128x128xf32, #tpu.memory_space<vmem>>, vector<1x1x16xf32>,
        %swap3A_630 = vector.shape_cast %swap3A_629 : vector<1x1x16xf32> to vector<16xf32>
        %swap3A_631 = vector.shape_cast %mul3A_624 : vector<16xf32> to vector<1x1x16xf32>
        tpu.vector_store %arg8[%swap3A_626, %swap3A_627, %swap3A_628], %swap3A_631 {strides = array<i32>} : memref<4x128x128xf32, #tpu.memory_space<vmem>>, vector<1x1x16xf32>,
        %get3A_632 = arith.constant 2 : i32
        %get3A_633 = arith.index_cast %get3A_632 : i32 to index
        %get3A_634 = arith.index_cast %scan3A_521 : i32 to index
        %get3A_635 = arith.constant 112 : index
        %get3A_636 = tpu.vector_load %arg8[%get3A_633, %get3A_634, %get3A_635] {strides = array<i32>} : memref<4x128x128xf32, #tpu.memory_space<vmem>>, vector<1x1x16xf32>,
        %get3A_637 = vector.shape_cast %get3A_636 : vector<1x1x16xf32> to vector<16xf32>
        %mul3A_638 = arith.constant 0.0883883461 : f32
        %mul3A_639 = vector.broadcast %mul3A_638 : f32 to vector<16xf32>
        %mul3A_640 = arith.mulf %get3A_637, %mul3A_639 : vector<16xf32>
        %swap3A_641 = arith.constant 2 : i32
        %swap3A_642 = arith.index_cast %swap3A_641 : i32 to index
        %swap3A_643 = arith.index_cast %scan3A_521 : i32 to index
        %swap3A_644 = arith.constant 112 : index
        %swap3A_645 = tpu.vector_load %arg8[%swap3A_642, %swap3A_643, %swap3A_644] {strides = array<i32>} : memref<4x128x128xf32, #tpu.memory_space<vmem>>, vector<1x1x16xf32>,
        %swap3A_646 = vector.shape_cast %swap3A_645 : vector<1x1x16xf32> to vector<16xf32>
        %swap3A_647 = vector.shape_cast %mul3A_640 : vector<16xf32> to vector<1x1x16xf32>
        tpu.vector_store %arg8[%swap3A_642, %swap3A_643, %swap3A_644], %swap3A_647 {strides = array<i32>} : memref<4x128x128xf32, #tpu.memory_space<vmem>>, vector<1x1x16xf32>,
      }
      %scan3A_424 = arith.constant 128 : i32
      %add3A_425 = arith.addi %mul3A_4, %add3A_406 : i32
      %mul3A_426 = arith.constant 128 : i32
      %mul3A_427 = arith.muli %add3A_425, %mul3A_426 : i32
      %add3A_428 = arith.constant 4096 : i32
      %add3A_429 = arith.addi %add3A_428, %mul3A_427 : i32
      %multiple_of3A_430 = tpu.assume_multiple %add3A_429, 128 : i32
      %dma_start3A_431 = arith.constant 2 : i32
      %dma_start3A_432 = arith.constant 0 : i32
      %dma_start3A_433 = arith.constant 0 : i32
      %dma_start3A_434 = tpu.memref_slice %arg8[%dma_start3A_431, %dma_start3A_432, %dma_start3A_433] : memref<4x128x128xf32, #tpu.memory_space<vmem>> -> memref<1x128x128xf32, #tpu.memory_space<vmem>>
      %dma_start3A_435 = tpu.memref_squeeze %dma_start3A_434 : memref<1x128x128xf32, #tpu.memory_space<vmem>> -> memref<128x128xf32, #tpu.memory_space<vmem>>
      %dma_start3A_436 = arith.constant 0 : i32
      %dma_start3A_437 = tpu.memref_slice %arg6[%multiple_of3A_430, %dma_start3A_436] : memref<823296x128xf32, #tpu.memory_space<hbm>> -> memref<128x128xf32, #tpu.memory_space<hbm>>
      %dma_start3A_438 = arith.constant 0 : i32
      %dma_start3A_439 = tpu.memref_slice %arg6[%multiple_of3A_430, %dma_start3A_438] : memref<823296x128xf32, #tpu.memory_space<hbm>> -> memref<128x128xf32, #tpu.memory_space<hbm>>
      %dma_start3A_440 = arith.constant 0 : i32
      %dma_start3A_441 = arith.constant 0 : i32
      %dma_start3A_442 = tpu.memref_slice %arg8[%dma_start3A_431, %dma_start3A_440, %dma_start3A_441] : memref<4x128x128xf32, #tpu.memory_space<vmem>> -> memref<1x128x128xf32, #tpu.memory_space<vmem>>
      %dma_start3A_443 = tpu.memref_squeeze %dma_start3A_442 : memref<1x128x128xf32, #tpu.memory_space<vmem>> -> memref<128x128xf32, #tpu.memory_space<vmem>>
      tpu.enqueue_dma source(%dma_start3A_443 : memref<128x128xf32, #tpu.memory_space<vmem>>) target(%dma_start3A_439 : memref<128x128xf32, #tpu.memory_space<hbm>>) target_semaphore(%arg22 : memref<!tpu.dma_semaphore, #tpu.memory_space<semaphore_mem>>)
      %add3A_444 = arith.constant 4 : i32
      %add3A_445 = arith.addi %add3A_406, %add3A_444 : i32
      %sub3A_446 = arith.constant 1 : i32
      %sub3A_447 = arith.subi %add3A_445, %sub3A_446 : i32
      %lt3A_448 = arith.constant 200 : i32
      %lt3A_449 = arith.cmpi slt, %sub3A_447, %lt3A_448 : i32
      %convert_element_type3A_450 = arith.extui %lt3A_449 : i1 to i32
      %cond3A_451 = arith.constant 0 : i32
      %cond3A_452 = arith.cmpi ne, %convert_element_type3A_450, %cond3A_451 : i32
      scf.if %cond3A_452 {
        %add3A_521 = arith.constant 4 : i32
        %add3A_522 = arith.addi %add3A_406, %add3A_521 : i32
        %sub3A_523 = arith.constant 1 : i32
        %sub3A_524 = arith.subi %add3A_522, %sub3A_523 : i32
        %add3A_525 = arith.addi %mul3A_4, %sub3A_524 : i32
        %jit3A_526 = arith.constant 32 : i32
        %div3A_527 = arith.divsi %add3A_525, %jit3A_526 : i32
        %sign3A_528 = arith.constant 0 : i32
        %sign3A_529 = arith.cmpi sgt, %add3A_525, %sign3A_528 : i32
        %sign3A_530 = arith.extui %sign3A_529 : i1 to i32
        %sign3A_531 = arith.constant 0 : i32
        %sign3A_532 = arith.cmpi slt, %add3A_525, %sign3A_531 : i32
        %sign3A_533 = arith.extui %sign3A_532 : i1 to i32
        %sign3A_534 = arith.subi %sign3A_530, %sign3A_533 : i32
        %sign3A_535 = arith.constant 0 : i32
        %sign3A_536 = arith.cmpi sgt, %jit3A_526, %sign3A_535 : i32
        %sign3A_537 = arith.extui %sign3A_536 : i1 to i32
        %sign3A_538 = arith.constant 0 : i32
        %sign3A_539 = arith.cmpi slt, %jit3A_526, %sign3A_538 : i32
        %sign3A_540 = arith.extui %sign3A_539 : i1 to i32
        %sign3A_541 = arith.subi %sign3A_537, %sign3A_540 : i32
        %ne3A_542 = arith.cmpi ne, %sign3A_534, %sign3A_541 : i32
        %rem3A_543 = arith.remsi %add3A_525, %jit3A_526 : i32
        %ne3A_544 = arith.constant 0 : i32
        %ne3A_545 = arith.cmpi ne, %rem3A_543, %ne3A_544 : i32
        %and3A_546 = arith.andi %ne3A_542, %ne3A_545 : i1
        %sub3A_547 = arith.constant 1 : i32
        %sub3A_548 = arith.subi %div3A_527, %sub3A_547 : i32
        %select_n3A_549 = arith.select %and3A_546, %sub3A_548, %div3A_527 : i32
        %jit3A_550 = arith.constant 32 : i32
        %eq3A_551 = arith.constant 0 : i32
        %eq3A_552 = arith.cmpi eq, %jit3A_550, %eq3A_551 : i32
        %jit3A_553 = arith.constant 1 : i32
        %select_n3A_554 = arith.select %eq3A_552, %jit3A_553, %jit3A_550 : i32
        %rem3A_555 = arith.remsi %add3A_525, %select_n3A_554 : i32
        %ne3A_556 = arith.constant 0 : i32
        %ne3A_557 = arith.cmpi ne, %rem3A_555, %ne3A_556 : i32
        %lt3A_558 = arith.constant 0 : i32
        %lt3A_559 = arith.cmpi slt, %rem3A_555, %lt3A_558 : i32
        %lt3A_560 = arith.constant 0 : i32
        %lt3A_561 = arith.cmpi slt, %select_n3A_554, %lt3A_560 : i32
        %ne3A_562 = arith.xori %lt3A_559, %lt3A_561 : i1
        %and3A_563 = arith.andi %ne3A_562, %ne3A_557 : i1
        %add3A_564 = arith.addi %rem3A_555, %select_n3A_554 : i32
        %select_n3A_565 = arith.select %and3A_563, %add3A_564, %rem3A_555 : i32
        %mul3A_566 = arith.constant 128 : i32
        %mul3A_567 = arith.muli %select_n3A_565, %mul3A_566 : i32
        %dma_start3A_568 = arith.constant 1 : i32
        %dma_start3A_569 = arith.constant 0 : i32
        %dma_start3A_570 = tpu.memref_slice %arg7[%dma_start3A_568, %dma_start3A_569] : memref<4x128xi32, #tpu.memory_space<vmem>> -> memref<1x128xi32, #tpu.memory_space<vmem>>
        %dma_start3A_571 = tpu.memref_squeeze %dma_start3A_570 : memref<1x128xi32, #tpu.memory_space<vmem>> -> memref<128xi32, #tpu.memory_space<vmem>>
        %dma_start3A_572 = tpu.memref_slice %arg2[%select_n3A_549, %mul3A_567] : memref<200x4096xi32, #tpu.memory_space<hbm>> -> memref<1x128xi32, #tpu.memory_space<hbm>>
        %dma_start3A_573 = tpu.memref_squeeze %dma_start3A_572 : memref<1x128xi32, #tpu.memory_space<hbm>> -> memref<128xi32, #tpu.memory_space<hbm>>
        %dma_start3A_574 = arith.constant 0 : i32
        %dma_start3A_575 = tpu.memref_slice %arg7[%dma_start3A_568, %dma_start3A_574] : memref<4x128xi32, #tpu.memory_space<vmem>> -> memref<1x128xi32, #tpu.memory_space<vmem>>
        %dma_start3A_576 = tpu.memref_squeeze %dma_start3A_575 : memref<1x128xi32, #tpu.memory_space<vmem>> -> memref<128xi32, #tpu.memory_space<vmem>>
        %dma_start3A_577 = tpu.memref_slice %arg2[%select_n3A_549, %mul3A_567] : memref<200x4096xi32, #tpu.memory_space<hbm>> -> memref<1x128xi32, #tpu.memory_space<hbm>>
        %dma_start3A_578 = tpu.memref_squeeze %dma_start3A_577 : memref<1x128xi32, #tpu.memory_space<hbm>> -> memref<128xi32, #tpu.memory_space<hbm>>
        tpu.enqueue_dma source(%dma_start3A_578 : memref<128xi32, #tpu.memory_space<hbm>>) target(%dma_start3A_576 : memref<128xi32, #tpu.memory_space<vmem>>) target_semaphore(%arg13 : memref<!tpu.dma_semaphore, #tpu.memory_space<semaphore_mem>>)
      } else {
      }
      %add3A_453 = arith.constant 4 : i32
      %add3A_454 = arith.addi %add3A_406, %add3A_453 : i32
      %sub3A_455 = arith.constant 2 : i32
      %sub3A_456 = arith.subi %add3A_454, %sub3A_455 : i32
      %lt3A_457 = arith.constant 200 : i32
      %lt3A_458 = arith.cmpi slt, %sub3A_456, %lt3A_457 : i32
      %convert_element_type3A_459 = arith.extui %lt3A_458 : i1 to i32
      %cond3A_460 = arith.constant 0 : i32
      %cond3A_461 = arith.cmpi ne, %convert_element_type3A_459, %cond3A_460 : i32
      scf.if %cond3A_461 {
        %ge3A = arith.constant 2 : i32
        %ge3A_521 = arith.cmpi sge, %add3A_406, %ge3A : i32
        %convert_element_type3A_522 = arith.extui %ge3A_521 : i1 to i32
        %cond3A_523 = arith.constant 0 : i32
        %cond3A_524 = arith.cmpi ne, %convert_element_type3A_522, %cond3A_523 : i32
        scf.if %cond3A_524 {
          %dma_wait3A_551 = arith.constant 0 : i32
          %dma_wait3A_552 = arith.constant 0 : i32
          %dma_wait3A_553 = arith.constant 0 : i32
          %dma_wait3A_554 = tpu.memref_slice %arg8[%dma_wait3A_551, %dma_wait3A_552, %dma_wait3A_553] : memref<4x128x128xf32, #tpu.memory_space<vmem>> -> memref<1x128x128xf32, #tpu.memory_space<vmem>>
          %dma_wait3A_555 = tpu.memref_squeeze %dma_wait3A_554 : memref<1x128x128xf32, #tpu.memory_space<vmem>> -> memref<128x128xf32, #tpu.memory_space<vmem>>
          %dma_wait3A_556 = arith.constant 0 : i32
          %dma_wait3A_557 = arith.constant 0 : i32
          %dma_wait3A_558 = tpu.memref_slice %arg6[%dma_wait3A_556, %dma_wait3A_557] : memref<823296x128xf32, #tpu.memory_space<hbm>> -> memref<128x128xf32, #tpu.memory_space<hbm>>
          %dma_wait3A_559 = arith.constant 0 : i32
          %dma_wait3A_560 = arith.constant 0 : i32
          %dma_wait3A_561 = tpu.memref_slice %arg6[%dma_wait3A_559, %dma_wait3A_560] : memref<823296x128xf32, #tpu.memory_space<hbm>> -> memref<128x128xf32, #tpu.memory_space<hbm>>
          %dma_wait3A_562 = arith.constant 0 : i32
          %dma_wait3A_563 = arith.constant 0 : i32
          %dma_wait3A_564 = tpu.memref_slice %arg8[%dma_wait3A_551, %dma_wait3A_562, %dma_wait3A_563] : memref<4x128x128xf32, #tpu.memory_space<vmem>> -> memref<1x128x128xf32, #tpu.memory_space<vmem>>
          %dma_wait3A_565 = tpu.memref_squeeze %dma_wait3A_564 : memref<1x128x128xf32, #tpu.memory_space<vmem>> -> memref<128x128xf32, #tpu.memory_space<vmem>>
          tpu.wait_dma2 semaphore(%arg20 : memref<!tpu.dma_semaphore, #tpu.memory_space<semaphore_mem>>) src(%dma_wait3A_565 : memref<128x128xf32, #tpu.memory_space<vmem>>) dst(%dma_wait3A_561 : memref<128x128xf32, #tpu.memory_space<hbm>>)
        } else {
        }
        %dma_wait3A_525 = arith.constant 0 : i32
        %dma_wait3A_526 = arith.constant 0 : i32
        %dma_wait3A_527 = arith.constant 0 : i32
        %dma_wait3A_528 = tpu.memref_slice %arg7[%dma_wait3A_526, %dma_wait3A_527] : memref<4x128xi32, #tpu.memory_space<vmem>> -> memref<1x128xi32, #tpu.memory_space<vmem>>
        %dma_wait3A_529 = tpu.memref_squeeze %dma_wait3A_528 : memref<1x128xi32, #tpu.memory_space<vmem>> -> memref<128xi32, #tpu.memory_space<vmem>>
        %dma_wait3A_530 = arith.constant 0 : i32
        %dma_wait3A_531 = tpu.memref_slice %arg2[%dma_wait3A_525, %dma_wait3A_530] : memref<200x4096xi32, #tpu.memory_space<hbm>> -> memref<1x128xi32, #tpu.memory_space<hbm>>
        %dma_wait3A_532 = tpu.memref_squeeze %dma_wait3A_531 : memref<1x128xi32, #tpu.memory_space<hbm>> -> memref<128xi32, #tpu.memory_space<hbm>>
        %dma_wait3A_533 = arith.constant 0 : i32
        %dma_wait3A_534 = tpu.memref_slice %arg7[%dma_wait3A_526, %dma_wait3A_533] : memref<4x128xi32, #tpu.memory_space<vmem>> -> memref<1x128xi32, #tpu.memory_space<vmem>>
        %dma_wait3A_535 = tpu.memref_squeeze %dma_wait3A_534 : memref<1x128xi32, #tpu.memory_space<vmem>> -> memref<128xi32, #tpu.memory_space<vmem>>
        %dma_wait3A_536 = arith.constant 0 : i32
        %dma_wait3A_537 = tpu.memref_slice %arg2[%dma_wait3A_525, %dma_wait3A_536] : memref<200x4096xi32, #tpu.memory_space<hbm>> -> memref<1x128xi32, #tpu.memory_space<hbm>>
        %dma_wait3A_538 = tpu.memref_squeeze %dma_wait3A_537 : memref<1x128xi32, #tpu.memory_space<hbm>> -> memref<128xi32, #tpu.memory_space<hbm>>
        tpu.wait_dma2 semaphore(%arg12 : memref<!tpu.dma_semaphore, #tpu.memory_space<semaphore_mem>>) src(%dma_wait3A_538 : memref<128xi32, #tpu.memory_space<hbm>>) dst(%dma_wait3A_535 : memref<128xi32, #tpu.memory_space<vmem>>)
        %dma_start3A_539 = arith.constant 0 : i32
        %dma_start3A_540 = arith.constant 0 : i32
        %dma_start3A_541 = arith.constant 0 : i32
        %dma_start3A_542 = arith.constant 0 : i32
        %dma_start3A_543 = tpu.memref_slice %arg8[%dma_start3A_540, %dma_start3A_541, %dma_start3A_542] : memref<4x128x128xf32, #tpu.memory_space<vmem>> -> memref<1x128x128xf32, #tpu.memory_space<vmem>>
        %dma_start3A_544 = tpu.memref_squeeze %dma_start3A_543 : memref<1x128x128xf32, #tpu.memory_space<vmem>> -> memref<128x128xf32, #tpu.memory_space<vmem>>
        %dma_start3A_545 = arith.constant 0 : i32
        %dma_start3A_546 = tpu.memref_slice %arg7[%dma_start3A_539, %dma_start3A_545] : memref<4x128xi32, #tpu.memory_space<vmem>> -> memref<1x128xi32, #tpu.memory_space<vmem>>
        %dma_start3A_547 = tpu.memref_squeeze %dma_start3A_546 : memref<1x128xi32, #tpu.memory_space<vmem>> -> memref<128xi32, #tpu.memory_space<vmem>>
        %dma_start3A_548 = arith.constant 0 : i32
        %dma_start3A_549 = arith.constant 0 : i32
        %dma_start3A_550 = tpu.memref_slice %arg4[%dma_start3A_548, %dma_start3A_549] : memref<100000x128xf32, #tpu.memory_space<hbm>> -> memref<100000x128xf32, #tpu.memory_space<hbm>>
        tpu.enqueue_indirect_dma source(%dma_start3A_550 : memref<100000x128xf32, #tpu.memory_space<hbm>>) target(%dma_start3A_544 : memref<128x128xf32, #tpu.memory_space<vmem>>) offsets(%dma_start3A_547 : memref<128xi32, #tpu.memory_space<vmem>>) semaphore(%arg16 : memref<!tpu.dma_semaphore, #tpu.memory_space<semaphore_mem>>)
      } else {
      }
      %mul3A_462 = arith.constant 4 : i32
      %mul3A_463 = arith.muli %scan3A_287, %mul3A_462 : i32
      %add3A_464 = arith.constant 3 : i32
      %add3A_465 = arith.addi %mul3A_463, %add3A_464 : i32
      %dma_wait3A_466 = arith.constant 3 : i32
      %dma_wait3A_467 = arith.constant 3 : i32
      %dma_wait3A_468 = arith.constant 0 : i32
      %dma_wait3A_469 = arith.constant 0 : i32
      %dma_wait3A_470 = tpu.memref_slice %arg8[%dma_wait3A_467, %dma_wait3A_468, %dma_wait3A_469] : memref<4x128x128xf32, #tpu.memory_space<vmem>> -> memref<1x128x128xf32, #tpu.memory_space<vmem>>
      %dma_wait3A_471 = tpu.memref_squeeze %dma_wait3A_470 : memref<1x128x128xf32, #tpu.memory_space<vmem>> -> memref<128x128xf32, #tpu.memory_space<vmem>>
      %dma_wait3A_472 = arith.constant 0 : i32
      %dma_wait3A_473 = tpu.memref_slice %arg7[%dma_wait3A_466, %dma_wait3A_472] : memref<4x128xi32, #tpu.memory_space<vmem>> -> memref<1x128xi32, #tpu.memory_space<vmem>>
      %dma_wait3A_474 = tpu.memref_squeeze %dma_wait3A_473 : memref<1x128xi32, #tpu.memory_space<vmem>> -> memref<128xi32, #tpu.memory_space<vmem>>
      %dma_wait3A_475 = arith.constant 0 : i32
      %dma_wait3A_476 = arith.constant 0 : i32
      %dma_wait3A_477 = tpu.memref_slice %arg4[%dma_wait3A_475, %dma_wait3A_476] : memref<100000x128xf32, #tpu.memory_space<hbm>> -> memref<100000x128xf32, #tpu.memory_space<hbm>>
      tpu.wait_indirect_dma semaphore(%arg19 : memref<!tpu.dma_semaphore, #tpu.memory_space<semaphore_mem>>) src(%dma_wait3A_477 : memref<100000x128xf32, #tpu.memory_space<hbm>>) dst(%dma_wait3A_471 : memref<128x128xf32, #tpu.memory_space<vmem>>)
      %scan3A_478 = arith.constant 0 : i32
      %scan3A_479 = arith.constant 0 : i32
      %scan3A_480 = arith.constant 128 : i32
      %scan3A_481 = arith.addi %scan3A_479, %scan3A_480 : i32
      %scan3A_482 = arith.constant 1 : i32
      scf.for %scan3A_521 = %scan3A_479 to %scan3A_481 step %scan3A_482  : i32 {
        %get3A = arith.constant 3 : i32
        %get3A_522 = arith.index_cast %get3A : i32 to index
        %get3A_523 = arith.index_cast %scan3A_521 : i32 to index
        %get3A_524 = arith.constant 0 : index
        %get3A_525 = tpu.vector_load %arg8[%get3A_522, %get3A_523, %get3A_524] {strides = array<i32>} : memref<4x128x128xf32, #tpu.memory_space<vmem>>, vector<1x1x16xf32>,
        %get3A_526 = vector.shape_cast %get3A_525 : vector<1x1x16xf32> to vector<16xf32>
        %mul3A_527 = arith.constant 0.0883883461 : f32
        %mul3A_528 = vector.broadcast %mul3A_527 : f32 to vector<16xf32>
        %mul3A_529 = arith.mulf %get3A_526, %mul3A_528 : vector<16xf32>
        %swap3A = arith.constant 3 : i32
        %swap3A_530 = arith.index_cast %swap3A : i32 to index
        %swap3A_531 = arith.index_cast %scan3A_521 : i32 to index
        %swap3A_532 = arith.constant 0 : index
        %swap3A_533 = tpu.vector_load %arg8[%swap3A_530, %swap3A_531, %swap3A_532] {strides = array<i32>} : memref<4x128x128xf32, #tpu.memory_space<vmem>>, vector<1x1x16xf32>,
        %swap3A_534 = vector.shape_cast %swap3A_533 : vector<1x1x16xf32> to vector<16xf32>
        %swap3A_535 = vector.shape_cast %mul3A_529 : vector<16xf32> to vector<1x1x16xf32>
        tpu.vector_store %arg8[%swap3A_530, %swap3A_531, %swap3A_532], %swap3A_535 {strides = array<i32>} : memref<4x128x128xf32, #tpu.memory_space<vmem>>, vector<1x1x16xf32>,
        %get3A_536 = arith.constant 3 : i32
        %get3A_537 = arith.index_cast %get3A_536 : i32 to index
        %get3A_538 = arith.index_cast %scan3A_521 : i32 to index
        %get3A_539 = arith.constant 16 : index
        %get3A_540 = tpu.vector_load %arg8[%get3A_537, %get3A_538, %get3A_539] {strides = array<i32>} : memref<4x128x128xf32, #tpu.memory_space<vmem>>, vector<1x1x16xf32>,
        %get3A_541 = vector.shape_cast %get3A_540 : vector<1x1x16xf32> to vector<16xf32>
        %mul3A_542 = arith.constant 0.0883883461 : f32
        %mul3A_543 = vector.broadcast %mul3A_542 : f32 to vector<16xf32>
        %mul3A_544 = arith.mulf %get3A_541, %mul3A_543 : vector<16xf32>
        %swap3A_545 = arith.constant 3 : i32
        %swap3A_546 = arith.index_cast %swap3A_545 : i32 to index
        %swap3A_547 = arith.index_cast %scan3A_521 : i32 to index
        %swap3A_548 = arith.constant 16 : index
        %swap3A_549 = tpu.vector_load %arg8[%swap3A_546, %swap3A_547, %swap3A_548] {strides = array<i32>} : memref<4x128x128xf32, #tpu.memory_space<vmem>>, vector<1x1x16xf32>,
        %swap3A_550 = vector.shape_cast %swap3A_549 : vector<1x1x16xf32> to vector<16xf32>
        %swap3A_551 = vector.shape_cast %mul3A_544 : vector<16xf32> to vector<1x1x16xf32>
        tpu.vector_store %arg8[%swap3A_546, %swap3A_547, %swap3A_548], %swap3A_551 {strides = array<i32>} : memref<4x128x128xf32, #tpu.memory_space<vmem>>, vector<1x1x16xf32>,
        %get3A_552 = arith.constant 3 : i32
        %get3A_553 = arith.index_cast %get3A_552 : i32 to index
        %get3A_554 = arith.index_cast %scan3A_521 : i32 to index
        %get3A_555 = arith.constant 32 : index
        %get3A_556 = tpu.vector_load %arg8[%get3A_553, %get3A_554, %get3A_555] {strides = array<i32>} : memref<4x128x128xf32, #tpu.memory_space<vmem>>, vector<1x1x16xf32>,
        %get3A_557 = vector.shape_cast %get3A_556 : vector<1x1x16xf32> to vector<16xf32>
        %mul3A_558 = arith.constant 0.0883883461 : f32
        %mul3A_559 = vector.broadcast %mul3A_558 : f32 to vector<16xf32>
        %mul3A_560 = arith.mulf %get3A_557, %mul3A_559 : vector<16xf32>
        %swap3A_561 = arith.constant 3 : i32
        %swap3A_562 = arith.index_cast %swap3A_561 : i32 to index
        %swap3A_563 = arith.index_cast %scan3A_521 : i32 to index
        %swap3A_564 = arith.constant 32 : index
        %swap3A_565 = tpu.vector_load %arg8[%swap3A_562, %swap3A_563, %swap3A_564] {strides = array<i32>} : memref<4x128x128xf32, #tpu.memory_space<vmem>>, vector<1x1x16xf32>,
        %swap3A_566 = vector.shape_cast %swap3A_565 : vector<1x1x16xf32> to vector<16xf32>
        %swap3A_567 = vector.shape_cast %mul3A_560 : vector<16xf32> to vector<1x1x16xf32>
        tpu.vector_store %arg8[%swap3A_562, %swap3A_563, %swap3A_564], %swap3A_567 {strides = array<i32>} : memref<4x128x128xf32, #tpu.memory_space<vmem>>, vector<1x1x16xf32>,
        %get3A_568 = arith.constant 3 : i32
        %get3A_569 = arith.index_cast %get3A_568 : i32 to index
        %get3A_570 = arith.index_cast %scan3A_521 : i32 to index
        %get3A_571 = arith.constant 48 : index
        %get3A_572 = tpu.vector_load %arg8[%get3A_569, %get3A_570, %get3A_571] {strides = array<i32>} : memref<4x128x128xf32, #tpu.memory_space<vmem>>, vector<1x1x16xf32>,
        %get3A_573 = vector.shape_cast %get3A_572 : vector<1x1x16xf32> to vector<16xf32>
        %mul3A_574 = arith.constant 0.0883883461 : f32
        %mul3A_575 = vector.broadcast %mul3A_574 : f32 to vector<16xf32>
        %mul3A_576 = arith.mulf %get3A_573, %mul3A_575 : vector<16xf32>
        %swap3A_577 = arith.constant 3 : i32
        %swap3A_578 = arith.index_cast %swap3A_577 : i32 to index
        %swap3A_579 = arith.index_cast %scan3A_521 : i32 to index
        %swap3A_580 = arith.constant 48 : index
        %swap3A_581 = tpu.vector_load %arg8[%swap3A_578, %swap3A_579, %swap3A_580] {strides = array<i32>} : memref<4x128x128xf32, #tpu.memory_space<vmem>>, vector<1x1x16xf32>,
        %swap3A_582 = vector.shape_cast %swap3A_581 : vector<1x1x16xf32> to vector<16xf32>
        %swap3A_583 = vector.shape_cast %mul3A_576 : vector<16xf32> to vector<1x1x16xf32>
        tpu.vector_store %arg8[%swap3A_578, %swap3A_579, %swap3A_580], %swap3A_583 {strides = array<i32>} : memref<4x128x128xf32, #tpu.memory_space<vmem>>, vector<1x1x16xf32>,
        %get3A_584 = arith.constant 3 : i32
        %get3A_585 = arith.index_cast %get3A_584 : i32 to index
        %get3A_586 = arith.index_cast %scan3A_521 : i32 to index
        %get3A_587 = arith.constant 64 : index
        %get3A_588 = tpu.vector_load %arg8[%get3A_585, %get3A_586, %get3A_587] {strides = array<i32>} : memref<4x128x128xf32, #tpu.memory_space<vmem>>, vector<1x1x16xf32>,
        %get3A_589 = vector.shape_cast %get3A_588 : vector<1x1x16xf32> to vector<16xf32>
        %mul3A_590 = arith.constant 0.0883883461 : f32
        %mul3A_591 = vector.broadcast %mul3A_590 : f32 to vector<16xf32>
        %mul3A_592 = arith.mulf %get3A_589, %mul3A_591 : vector<16xf32>
        %swap3A_593 = arith.constant 3 : i32
        %swap3A_594 = arith.index_cast %swap3A_593 : i32 to index
        %swap3A_595 = arith.index_cast %scan3A_521 : i32 to index
        %swap3A_596 = arith.constant 64 : index
        %swap3A_597 = tpu.vector_load %arg8[%swap3A_594, %swap3A_595, %swap3A_596] {strides = array<i32>} : memref<4x128x128xf32, #tpu.memory_space<vmem>>, vector<1x1x16xf32>,
        %swap3A_598 = vector.shape_cast %swap3A_597 : vector<1x1x16xf32> to vector<16xf32>
        %swap3A_599 = vector.shape_cast %mul3A_592 : vector<16xf32> to vector<1x1x16xf32>
        tpu.vector_store %arg8[%swap3A_594, %swap3A_595, %swap3A_596], %swap3A_599 {strides = array<i32>} : memref<4x128x128xf32, #tpu.memory_space<vmem>>, vector<1x1x16xf32>,
        %get3A_600 = arith.constant 3 : i32
        %get3A_601 = arith.index_cast %get3A_600 : i32 to index
        %get3A_602 = arith.index_cast %scan3A_521 : i32 to index
        %get3A_603 = arith.constant 80 : index
        %get3A_604 = tpu.vector_load %arg8[%get3A_601, %get3A_602, %get3A_603] {strides = array<i32>} : memref<4x128x128xf32, #tpu.memory_space<vmem>>, vector<1x1x16xf32>,
        %get3A_605 = vector.shape_cast %get3A_604 : vector<1x1x16xf32> to vector<16xf32>
        %mul3A_606 = arith.constant 0.0883883461 : f32
        %mul3A_607 = vector.broadcast %mul3A_606 : f32 to vector<16xf32>
        %mul3A_608 = arith.mulf %get3A_605, %mul3A_607 : vector<16xf32>
        %swap3A_609 = arith.constant 3 : i32
        %swap3A_610 = arith.index_cast %swap3A_609 : i32 to index
        %swap3A_611 = arith.index_cast %scan3A_521 : i32 to index
        %swap3A_612 = arith.constant 80 : index
        %swap3A_613 = tpu.vector_load %arg8[%swap3A_610, %swap3A_611, %swap3A_612] {strides = array<i32>} : memref<4x128x128xf32, #tpu.memory_space<vmem>>, vector<1x1x16xf32>,
        %swap3A_614 = vector.shape_cast %swap3A_613 : vector<1x1x16xf32> to vector<16xf32>
        %swap3A_615 = vector.shape_cast %mul3A_608 : vector<16xf32> to vector<1x1x16xf32>
        tpu.vector_store %arg8[%swap3A_610, %swap3A_611, %swap3A_612], %swap3A_615 {strides = array<i32>} : memref<4x128x128xf32, #tpu.memory_space<vmem>>, vector<1x1x16xf32>,
        %get3A_616 = arith.constant 3 : i32
        %get3A_617 = arith.index_cast %get3A_616 : i32 to index
        %get3A_618 = arith.index_cast %scan3A_521 : i32 to index
        %get3A_619 = arith.constant 96 : index
        %get3A_620 = tpu.vector_load %arg8[%get3A_617, %get3A_618, %get3A_619] {strides = array<i32>} : memref<4x128x128xf32, #tpu.memory_space<vmem>>, vector<1x1x16xf32>,
        %get3A_621 = vector.shape_cast %get3A_620 : vector<1x1x16xf32> to vector<16xf32>
        %mul3A_622 = arith.constant 0.0883883461 : f32
        %mul3A_623 = vector.broadcast %mul3A_622 : f32 to vector<16xf32>
        %mul3A_624 = arith.mulf %get3A_621, %mul3A_623 : vector<16xf32>
        %swap3A_625 = arith.constant 3 : i32
        %swap3A_626 = arith.index_cast %swap3A_625 : i32 to index
        %swap3A_627 = arith.index_cast %scan3A_521 : i32 to index
        %swap3A_628 = arith.constant 96 : index
        %swap3A_629 = tpu.vector_load %arg8[%swap3A_626, %swap3A_627, %swap3A_628] {strides = array<i32>} : memref<4x128x128xf32, #tpu.memory_space<vmem>>, vector<1x1x16xf32>,
        %swap3A_630 = vector.shape_cast %swap3A_629 : vector<1x1x16xf32> to vector<16xf32>
        %swap3A_631 = vector.shape_cast %mul3A_624 : vector<16xf32> to vector<1x1x16xf32>
        tpu.vector_store %arg8[%swap3A_626, %swap3A_627, %swap3A_628], %swap3A_631 {strides = array<i32>} : memref<4x128x128xf32, #tpu.memory_space<vmem>>, vector<1x1x16xf32>,
        %get3A_632 = arith.constant 3 : i32
        %get3A_633 = arith.index_cast %get3A_632 : i32 to index
        %get3A_634 = arith.index_cast %scan3A_521 : i32 to index
        %get3A_635 = arith.constant 112 : index
        %get3A_636 = tpu.vector_load %arg8[%get3A_633, %get3A_634, %get3A_635] {strides = array<i32>} : memref<4x128x128xf32, #tpu.memory_space<vmem>>, vector<1x1x16xf32>,
        %get3A_637 = vector.shape_cast %get3A_636 : vector<1x1x16xf32> to vector<16xf32>
        %mul3A_638 = arith.constant 0.0883883461 : f32
        %mul3A_639 = vector.broadcast %mul3A_638 : f32 to vector<16xf32>
        %mul3A_640 = arith.mulf %get3A_637, %mul3A_639 : vector<16xf32>
        %swap3A_641 = arith.constant 3 : i32
        %swap3A_642 = arith.index_cast %swap3A_641 : i32 to index
        %swap3A_643 = arith.index_cast %scan3A_521 : i32 to index
        %swap3A_644 = arith.constant 112 : index
        %swap3A_645 = tpu.vector_load %arg8[%swap3A_642, %swap3A_643, %swap3A_644] {strides = array<i32>} : memref<4x128x128xf32, #tpu.memory_space<vmem>>, vector<1x1x16xf32>,
        %swap3A_646 = vector.shape_cast %swap3A_645 : vector<1x1x16xf32> to vector<16xf32>
        %swap3A_647 = vector.shape_cast %mul3A_640 : vector<16xf32> to vector<1x1x16xf32>
        tpu.vector_store %arg8[%swap3A_642, %swap3A_643, %swap3A_644], %swap3A_647 {strides = array<i32>} : memref<4x128x128xf32, #tpu.memory_space<vmem>>, vector<1x1x16xf32>,
      }
      %scan3A_483 = arith.constant 128 : i32
      %add3A_484 = arith.addi %mul3A_4, %add3A_465 : i32
      %mul3A_485 = arith.constant 128 : i32
      %mul3A_486 = arith.muli %add3A_484, %mul3A_485 : i32
      %add3A_487 = arith.constant 4096 : i32
      %add3A_488 = arith.addi %add3A_487, %mul3A_486 : i32
      %multiple_of3A_489 = tpu.assume_multiple %add3A_488, 128 : i32
      %dma_start3A_490 = arith.constant 3 : i32
      %dma_start3A_491 = arith.constant 0 : i32
      %dma_start3A_492 = arith.constant 0 : i32
      %dma_start3A_493 = tpu.memref_slice %arg8[%dma_start3A_490, %dma_start3A_491, %dma_start3A_492] : memref<4x128x128xf32, #tpu.memory_space<vmem>> -> memref<1x128x128xf32, #tpu.memory_space<vmem>>
      %dma_start3A_494 = tpu.memref_squeeze %dma_start3A_493 : memref<1x128x128xf32, #tpu.memory_space<vmem>> -> memref<128x128xf32, #tpu.memory_space<vmem>>
      %dma_start3A_495 = arith.constant 0 : i32
      %dma_start3A_496 = tpu.memref_slice %arg6[%multiple_of3A_489, %dma_start3A_495] : memref<823296x128xf32, #tpu.memory_space<hbm>> -> memref<128x128xf32, #tpu.memory_space<hbm>>
      %dma_start3A_497 = arith.constant 0 : i32
      %dma_start3A_498 = tpu.memref_slice %arg6[%multiple_of3A_489, %dma_start3A_497] : memref<823296x128xf32, #tpu.memory_space<hbm>> -> memref<128x128xf32, #tpu.memory_space<hbm>>
      %dma_start3A_499 = arith.constant 0 : i32
      %dma_start3A_500 = arith.constant 0 : i32
      %dma_start3A_501 = tpu.memref_slice %arg8[%dma_start3A_490, %dma_start3A_499, %dma_start3A_500] : memref<4x128x128xf32, #tpu.memory_space<vmem>> -> memref<1x128x128xf32, #tpu.memory_space<vmem>>
      %dma_start3A_502 = tpu.memref_squeeze %dma_start3A_501 : memref<1x128x128xf32, #tpu.memory_space<vmem>> -> memref<128x128xf32, #tpu.memory_space<vmem>>
      tpu.enqueue_dma source(%dma_start3A_502 : memref<128x128xf32, #tpu.memory_space<vmem>>) target(%dma_start3A_498 : memref<128x128xf32, #tpu.memory_space<hbm>>) target_semaphore(%arg23 : memref<!tpu.dma_semaphore, #tpu.memory_space<semaphore_mem>>)
      %add3A_503 = arith.constant 4 : i32
      %add3A_504 = arith.addi %add3A_465, %add3A_503 : i32
      %sub3A_505 = arith.constant 1 : i32
      %sub3A_506 = arith.subi %add3A_504, %sub3A_505 : i32
      %lt3A_507 = arith.constant 200 : i32
      %lt3A_508 = arith.cmpi slt, %sub3A_506, %lt3A_507 : i32
      %convert_element_type3A_509 = arith.extui %lt3A_508 : i1 to i32
      %cond3A_510 = arith.constant 0 : i32
      %cond3A_511 = arith.cmpi ne, %convert_element_type3A_509, %cond3A_510 : i32
      scf.if %cond3A_511 {
        %add3A_521 = arith.constant 4 : i32
        %add3A_522 = arith.addi %add3A_465, %add3A_521 : i32
        %sub3A_523 = arith.constant 1 : i32
        %sub3A_524 = arith.subi %add3A_522, %sub3A_523 : i32
        %add3A_525 = arith.addi %mul3A_4, %sub3A_524 : i32
        %jit3A_526 = arith.constant 32 : i32
        %div3A_527 = arith.divsi %add3A_525, %jit3A_526 : i32
        %sign3A_528 = arith.constant 0 : i32
        %sign3A_529 = arith.cmpi sgt, %add3A_525, %sign3A_528 : i32
        %sign3A_530 = arith.extui %sign3A_529 : i1 to i32
        %sign3A_531 = arith.constant 0 : i32
        %sign3A_532 = arith.cmpi slt, %add3A_525, %sign3A_531 : i32
        %sign3A_533 = arith.extui %sign3A_532 : i1 to i32
        %sign3A_534 = arith.subi %sign3A_530, %sign3A_533 : i32
        %sign3A_535 = arith.constant 0 : i32
        %sign3A_536 = arith.cmpi sgt, %jit3A_526, %sign3A_535 : i32
        %sign3A_537 = arith.extui %sign3A_536 : i1 to i32
        %sign3A_538 = arith.constant 0 : i32
        %sign3A_539 = arith.cmpi slt, %jit3A_526, %sign3A_538 : i32
        %sign3A_540 = arith.extui %sign3A_539 : i1 to i32
        %sign3A_541 = arith.subi %sign3A_537, %sign3A_540 : i32
        %ne3A_542 = arith.cmpi ne, %sign3A_534, %sign3A_541 : i32
        %rem3A_543 = arith.remsi %add3A_525, %jit3A_526 : i32
        %ne3A_544 = arith.constant 0 : i32
        %ne3A_545 = arith.cmpi ne, %rem3A_543, %ne3A_544 : i32
        %and3A_546 = arith.andi %ne3A_542, %ne3A_545 : i1
        %sub3A_547 = arith.constant 1 : i32
        %sub3A_548 = arith.subi %div3A_527, %sub3A_547 : i32
        %select_n3A_549 = arith.select %and3A_546, %sub3A_548, %div3A_527 : i32
        %jit3A_550 = arith.constant 32 : i32
        %eq3A_551 = arith.constant 0 : i32
        %eq3A_552 = arith.cmpi eq, %jit3A_550, %eq3A_551 : i32
        %jit3A_553 = arith.constant 1 : i32
        %select_n3A_554 = arith.select %eq3A_552, %jit3A_553, %jit3A_550 : i32
        %rem3A_555 = arith.remsi %add3A_525, %select_n3A_554 : i32
        %ne3A_556 = arith.constant 0 : i32
        %ne3A_557 = arith.cmpi ne, %rem3A_555, %ne3A_556 : i32
        %lt3A_558 = arith.constant 0 : i32
        %lt3A_559 = arith.cmpi slt, %rem3A_555, %lt3A_558 : i32
        %lt3A_560 = arith.constant 0 : i32
        %lt3A_561 = arith.cmpi slt, %select_n3A_554, %lt3A_560 : i32
        %ne3A_562 = arith.xori %lt3A_559, %lt3A_561 : i1
        %and3A_563 = arith.andi %ne3A_562, %ne3A_557 : i1
        %add3A_564 = arith.addi %rem3A_555, %select_n3A_554 : i32
        %select_n3A_565 = arith.select %and3A_563, %add3A_564, %rem3A_555 : i32
        %mul3A_566 = arith.constant 128 : i32
        %mul3A_567 = arith.muli %select_n3A_565, %mul3A_566 : i32
        %dma_start3A_568 = arith.constant 2 : i32
        %dma_start3A_569 = arith.constant 0 : i32
        %dma_start3A_570 = tpu.memref_slice %arg7[%dma_start3A_568, %dma_start3A_569] : memref<4x128xi32, #tpu.memory_space<vmem>> -> memref<1x128xi32, #tpu.memory_space<vmem>>
        %dma_start3A_571 = tpu.memref_squeeze %dma_start3A_570 : memref<1x128xi32, #tpu.memory_space<vmem>> -> memref<128xi32, #tpu.memory_space<vmem>>
        %dma_start3A_572 = tpu.memref_slice %arg2[%select_n3A_549, %mul3A_567] : memref<200x4096xi32, #tpu.memory_space<hbm>> -> memref<1x128xi32, #tpu.memory_space<hbm>>
        %dma_start3A_573 = tpu.memref_squeeze %dma_start3A_572 : memref<1x128xi32, #tpu.memory_space<hbm>> -> memref<128xi32, #tpu.memory_space<hbm>>
        %dma_start3A_574 = arith.constant 0 : i32
        %dma_start3A_575 = tpu.memref_slice %arg7[%dma_start3A_568, %dma_start3A_574] : memref<4x128xi32, #tpu.memory_space<vmem>> -> memref<1x128xi32, #tpu.memory_space<vmem>>
        %dma_start3A_576 = tpu.memref_squeeze %dma_start3A_575 : memref<1x128xi32, #tpu.memory_space<vmem>> -> memref<128xi32, #tpu.memory_space<vmem>>
        %dma_start3A_577 = tpu.memref_slice %arg2[%select_n3A_549, %mul3A_567] : memref<200x4096xi32, #tpu.memory_space<hbm>> -> memref<1x128xi32, #tpu.memory_space<hbm>>
        %dma_start3A_578 = tpu.memref_squeeze %dma_start3A_577 : memref<1x128xi32, #tpu.memory_space<hbm>> -> memref<128xi32, #tpu.memory_space<hbm>>
        tpu.enqueue_dma source(%dma_start3A_578 : memref<128xi32, #tpu.memory_space<hbm>>) target(%dma_start3A_576 : memref<128xi32, #tpu.memory_space<vmem>>) target_semaphore(%arg14 : memref<!tpu.dma_semaphore, #tpu.memory_space<semaphore_mem>>)
      } else {
      }
      %add3A_512 = arith.constant 4 : i32
      %add3A_513 = arith.addi %add3A_465, %add3A_512 : i32
      %sub3A_514 = arith.constant 2 : i32
      %sub3A_515 = arith.subi %add3A_513, %sub3A_514 : i32
      %lt3A_516 = arith.constant 200 : i32
      %lt3A_517 = arith.cmpi slt, %sub3A_515, %lt3A_516 : i32
      %convert_element_type3A_518 = arith.extui %lt3A_517 : i1 to i32
      %cond3A_519 = arith.constant 0 : i32
      %cond3A_520 = arith.cmpi ne, %convert_element_type3A_518, %cond3A_519 : i32
      scf.if %cond3A_520 {
        %ge3A = arith.constant 2 : i32
        %ge3A_521 = arith.cmpi sge, %add3A_465, %ge3A : i32
        %convert_element_type3A_522 = arith.extui %ge3A_521 : i1 to i32
        %cond3A_523 = arith.constant 0 : i32
        %cond3A_524 = arith.cmpi ne, %convert_element_type3A_522, %cond3A_523 : i32
        scf.if %cond3A_524 {
          %dma_wait3A_551 = arith.constant 1 : i32
          %dma_wait3A_552 = arith.constant 0 : i32
          %dma_wait3A_553 = arith.constant 0 : i32
          %dma_wait3A_554 = tpu.memref_slice %arg8[%dma_wait3A_551, %dma_wait3A_552, %dma_wait3A_553] : memref<4x128x128xf32, #tpu.memory_space<vmem>> -> memref<1x128x128xf32, #tpu.memory_space<vmem>>
          %dma_wait3A_555 = tpu.memref_squeeze %dma_wait3A_554 : memref<1x128x128xf32, #tpu.memory_space<vmem>> -> memref<128x128xf32, #tpu.memory_space<vmem>>
          %dma_wait3A_556 = arith.constant 0 : i32
          %dma_wait3A_557 = arith.constant 0 : i32
          %dma_wait3A_558 = tpu.memref_slice %arg6[%dma_wait3A_556, %dma_wait3A_557] : memref<823296x128xf32, #tpu.memory_space<hbm>> -> memref<128x128xf32, #tpu.memory_space<hbm>>
          %dma_wait3A_559 = arith.constant 0 : i32
          %dma_wait3A_560 = arith.constant 0 : i32
          %dma_wait3A_561 = tpu.memref_slice %arg6[%dma_wait3A_559, %dma_wait3A_560] : memref<823296x128xf32, #tpu.memory_space<hbm>> -> memref<128x128xf32, #tpu.memory_space<hbm>>
          %dma_wait3A_562 = arith.constant 0 : i32
          %dma_wait3A_563 = arith.constant 0 : i32
          %dma_wait3A_564 = tpu.memref_slice %arg8[%dma_wait3A_551, %dma_wait3A_562, %dma_wait3A_563] : memref<4x128x128xf32, #tpu.memory_space<vmem>> -> memref<1x128x128xf32, #tpu.memory_space<vmem>>
          %dma_wait3A_565 = tpu.memref_squeeze %dma_wait3A_564 : memref<1x128x128xf32, #tpu.memory_space<vmem>> -> memref<128x128xf32, #tpu.memory_space<vmem>>
          tpu.wait_dma2 semaphore(%arg21 : memref<!tpu.dma_semaphore, #tpu.memory_space<semaphore_mem>>) src(%dma_wait3A_565 : memref<128x128xf32, #tpu.memory_space<vmem>>) dst(%dma_wait3A_561 : memref<128x128xf32, #tpu.memory_space<hbm>>)
        } else {
        }
        %dma_wait3A_525 = arith.constant 0 : i32
        %dma_wait3A_526 = arith.constant 1 : i32
        %dma_wait3A_527 = arith.constant 0 : i32
        %dma_wait3A_528 = tpu.memref_slice %arg7[%dma_wait3A_526, %dma_wait3A_527] : memref<4x128xi32, #tpu.memory_space<vmem>> -> memref<1x128xi32, #tpu.memory_space<vmem>>
        %dma_wait3A_529 = tpu.memref_squeeze %dma_wait3A_528 : memref<1x128xi32, #tpu.memory_space<vmem>> -> memref<128xi32, #tpu.memory_space<vmem>>
        %dma_wait3A_530 = arith.constant 0 : i32
        %dma_wait3A_531 = tpu.memref_slice %arg2[%dma_wait3A_525, %dma_wait3A_530] : memref<200x4096xi32, #tpu.memory_space<hbm>> -> memref<1x128xi32, #tpu.memory_space<hbm>>
        %dma_wait3A_532 = tpu.memref_squeeze %dma_wait3A_531 : memref<1x128xi32, #tpu.memory_space<hbm>> -> memref<128xi32, #tpu.memory_space<hbm>>
        %dma_wait3A_533 = arith.constant 0 : i32
        %dma_wait3A_534 = tpu.memref_slice %arg7[%dma_wait3A_526, %dma_wait3A_533] : memref<4x128xi32, #tpu.memory_space<vmem>> -> memref<1x128xi32, #tpu.memory_space<vmem>>
        %dma_wait3A_535 = tpu.memref_squeeze %dma_wait3A_534 : memref<1x128xi32, #tpu.memory_space<vmem>> -> memref<128xi32, #tpu.memory_space<vmem>>
        %dma_wait3A_536 = arith.constant 0 : i32
        %dma_wait3A_537 = tpu.memref_slice %arg2[%dma_wait3A_525, %dma_wait3A_536] : memref<200x4096xi32, #tpu.memory_space<hbm>> -> memref<1x128xi32, #tpu.memory_space<hbm>>
        %dma_wait3A_538 = tpu.memref_squeeze %dma_wait3A_537 : memref<1x128xi32, #tpu.memory_space<hbm>> -> memref<128xi32, #tpu.memory_space<hbm>>
        tpu.wait_dma2 semaphore(%arg13 : memref<!tpu.dma_semaphore, #tpu.memory_space<semaphore_mem>>) src(%dma_wait3A_538 : memref<128xi32, #tpu.memory_space<hbm>>) dst(%dma_wait3A_535 : memref<128xi32, #tpu.memory_space<vmem>>)
        %dma_start3A_539 = arith.constant 1 : i32
        %dma_start3A_540 = arith.constant 1 : i32
        %dma_start3A_541 = arith.constant 0 : i32
        %dma_start3A_542 = arith.constant 0 : i32
        %dma_start3A_543 = tpu.memref_slice %arg8[%dma_start3A_540, %dma_start3A_541, %dma_start3A_542] : memref<4x128x128xf32, #tpu.memory_space<vmem>> -> memref<1x128x128xf32, #tpu.memory_space<vmem>>
        %dma_start3A_544 = tpu.memref_squeeze %dma_start3A_543 : memref<1x128x128xf32, #tpu.memory_space<vmem>> -> memref<128x128xf32, #tpu.memory_space<vmem>>
        %dma_start3A_545 = arith.constant 0 : i32
        %dma_start3A_546 = tpu.memref_slice %arg7[%dma_start3A_539, %dma_start3A_545] : memref<4x128xi32, #tpu.memory_space<vmem>> -> memref<1x128xi32, #tpu.memory_space<vmem>>
        %dma_start3A_547 = tpu.memref_squeeze %dma_start3A_546 : memref<1x128xi32, #tpu.memory_space<vmem>> -> memref<128xi32, #tpu.memory_space<vmem>>
        %dma_start3A_548 = arith.constant 0 : i32
        %dma_start3A_549 = arith.constant 0 : i32
        %dma_start3A_550 = tpu.memref_slice %arg4[%dma_start3A_548, %dma_start3A_549] : memref<100000x128xf32, #tpu.memory_space<hbm>> -> memref<100000x128xf32, #tpu.memory_space<hbm>>
        tpu.enqueue_indirect_dma source(%dma_start3A_550 : memref<100000x128xf32, #tpu.memory_space<hbm>>) target(%dma_start3A_544 : memref<128x128xf32, #tpu.memory_space<vmem>>) offsets(%dma_start3A_547 : memref<128xi32, #tpu.memory_space<vmem>>) semaphore(%arg17 : memref<!tpu.dma_semaphore, #tpu.memory_space<semaphore_mem>>)
      } else {
      }
    }
    %scan3A_226 = arith.constant 50 : i32
    %dma_wait3A_227 = arith.constant 0 : i32
    %dma_wait3A_228 = arith.constant 0 : i32
    %dma_wait3A_229 = arith.constant 0 : i32
    %dma_wait3A_230 = tpu.memref_slice %arg8[%dma_wait3A_227, %dma_wait3A_228, %dma_wait3A_229] : memref<4x128x128xf32, #tpu.memory_space<vmem>> -> memref<1x128x128xf32, #tpu.memory_space<vmem>>
    %dma_wait3A_231 = tpu.memref_squeeze %dma_wait3A_230 : memref<1x128x128xf32, #tpu.memory_space<vmem>> -> memref<128x128xf32, #tpu.memory_space<vmem>>
    %dma_wait3A_232 = arith.constant 0 : i32
    %dma_wait3A_233 = arith.constant 0 : i32
    %dma_wait3A_234 = tpu.memref_slice %arg6[%dma_wait3A_232, %dma_wait3A_233] : memref<823296x128xf32, #tpu.memory_space<hbm>> -> memref<128x128xf32, #tpu.memory_space<hbm>>
    %dma_wait3A_235 = arith.constant 0 : i32
    %dma_wait3A_236 = arith.constant 0 : i32
    %dma_wait3A_237 = tpu.memref_slice %arg6[%dma_wait3A_235, %dma_wait3A_236] : memref<823296x128xf32, #tpu.memory_space<hbm>> -> memref<128x128xf32, #tpu.memory_space<hbm>>
    %dma_wait3A_238 = arith.constant 0 : i32
    %dma_wait3A_239 = arith.constant 0 : i32
    %dma_wait3A_240 = tpu.memref_slice %arg8[%dma_wait3A_227, %dma_wait3A_238, %dma_wait3A_239] : memref<4x128x128xf32, #tpu.memory_space<vmem>> -> memref<1x128x128xf32, #tpu.memory_space<vmem>>
    %dma_wait3A_241 = tpu.memref_squeeze %dma_wait3A_240 : memref<1x128x128xf32, #tpu.memory_space<vmem>> -> memref<128x128xf32, #tpu.memory_space<vmem>>
    tpu.wait_dma2 semaphore(%arg20 : memref<!tpu.dma_semaphore, #tpu.memory_space<semaphore_mem>>) src(%dma_wait3A_241 : memref<128x128xf32, #tpu.memory_space<vmem>>) dst(%dma_wait3A_237 : memref<128x128xf32, #tpu.memory_space<hbm>>)
    %dma_wait3A_242 = arith.constant 1 : i32
    %dma_wait3A_243 = arith.constant 0 : i32
    %dma_wait3A_244 = arith.constant 0 : i32
    %dma_wait3A_245 = tpu.memref_slice %arg8[%dma_wait3A_242, %dma_wait3A_243, %dma_wait3A_244] : memref<4x128x128xf32, #tpu.memory_space<vmem>> -> memref<1x128x128xf32, #tpu.memory_space<vmem>>
    %dma_wait3A_246 = tpu.memref_squeeze %dma_wait3A_245 : memref<1x128x128xf32, #tpu.memory_space<vmem>> -> memref<128x128xf32, #tpu.memory_space<vmem>>
    %dma_wait3A_247 = arith.constant 0 : i32
    %dma_wait3A_248 = arith.constant 0 : i32
    %dma_wait3A_249 = tpu.memref_slice %arg6[%dma_wait3A_247, %dma_wait3A_248] : memref<823296x128xf32, #tpu.memory_space<hbm>> -> memref<128x128xf32, #tpu.memory_space<hbm>>
    %dma_wait3A_250 = arith.constant 0 : i32
    %dma_wait3A_251 = arith.constant 0 : i32
    %dma_wait3A_252 = tpu.memref_slice %arg6[%dma_wait3A_250, %dma_wait3A_251] : memref<823296x128xf32, #tpu.memory_space<hbm>> -> memref<128x128xf32, #tpu.memory_space<hbm>>
    %dma_wait3A_253 = arith.constant 0 : i32
    %dma_wait3A_254 = arith.constant 0 : i32
    %dma_wait3A_255 = tpu.memref_slice %arg8[%dma_wait3A_242, %dma_wait3A_253, %dma_wait3A_254] : memref<4x128x128xf32, #tpu.memory_space<vmem>> -> memref<1x128x128xf32, #tpu.memory_space<vmem>>
    %dma_wait3A_256 = tpu.memref_squeeze %dma_wait3A_255 : memref<1x128x128xf32, #tpu.memory_space<vmem>> -> memref<128x128xf32, #tpu.memory_space<vmem>>
    tpu.wait_dma2 semaphore(%arg21 : memref<!tpu.dma_semaphore, #tpu.memory_space<semaphore_mem>>) src(%dma_wait3A_256 : memref<128x128xf32, #tpu.memory_space<vmem>>) dst(%dma_wait3A_252 : memref<128x128xf32, #tpu.memory_space<hbm>>)
    %dma_wait3A_257 = arith.constant 2 : i32
    %dma_wait3A_258 = arith.constant 0 : i32
    %dma_wait3A_259 = arith.constant 0 : i32
    %dma_wait3A_260 = tpu.memref_slice %arg8[%dma_wait3A_257, %dma_wait3A_258, %dma_wait3A_259] : memref<4x128x128xf32, #tpu.memory_space<vmem>> -> memref<1x128x128xf32, #tpu.memory_space<vmem>>
    %dma_wait3A_261 = tpu.memref_squeeze %dma_wait3A_260 : memref<1x128x128xf32, #tpu.memory_space<vmem>> -> memref<128x128xf32, #tpu.memory_space<vmem>>
    %dma_wait3A_262 = arith.constant 0 : i32
    %dma_wait3A_263 = arith.constant 0 : i32
    %dma_wait3A_264 = tpu.memref_slice %arg6[%dma_wait3A_262, %dma_wait3A_263] : memref<823296x128xf32, #tpu.memory_space<hbm>> -> memref<128x128xf32, #tpu.memory_space<hbm>>
    %dma_wait3A_265 = arith.constant 0 : i32
    %dma_wait3A_266 = arith.constant 0 : i32
    %dma_wait3A_267 = tpu.memref_slice %arg6[%dma_wait3A_265, %dma_wait3A_266] : memref<823296x128xf32, #tpu.memory_space<hbm>> -> memref<128x128xf32, #tpu.memory_space<hbm>>
    %dma_wait3A_268 = arith.constant 0 : i32
    %dma_wait3A_269 = arith.constant 0 : i32
    %dma_wait3A_270 = tpu.memref_slice %arg8[%dma_wait3A_257, %dma_wait3A_268, %dma_wait3A_269] : memref<4x128x128xf32, #tpu.memory_space<vmem>> -> memref<1x128x128xf32, #tpu.memory_space<vmem>>
    %dma_wait3A_271 = tpu.memref_squeeze %dma_wait3A_270 : memref<1x128x128xf32, #tpu.memory_space<vmem>> -> memref<128x128xf32, #tpu.memory_space<vmem>>
    tpu.wait_dma2 semaphore(%arg22 : memref<!tpu.dma_semaphore, #tpu.memory_space<semaphore_mem>>) src(%dma_wait3A_271 : memref<128x128xf32, #tpu.memory_space<vmem>>) dst(%dma_wait3A_267 : memref<128x128xf32, #tpu.memory_space<hbm>>)
    %dma_wait3A_272 = arith.constant 3 : i32
    %dma_wait3A_273 = arith.constant 0 : i32
    %dma_wait3A_274 = arith.constant 0 : i32
    %dma_wait3A_275 = tpu.memref_slice %arg8[%dma_wait3A_272, %dma_wait3A_273, %dma_wait3A_274] : memref<4x128x128xf32, #tpu.memory_space<vmem>> -> memref<1x128x128xf32, #tpu.memory_space<vmem>>
    %dma_wait3A_276 = tpu.memref_squeeze %dma_wait3A_275 : memref<1x128x128xf32, #tpu.memory_space<vmem>> -> memref<128x128xf32, #tpu.memory_space<vmem>>
    %dma_wait3A_277 = arith.constant 0 : i32
    %dma_wait3A_278 = arith.constant 0 : i32
    %dma_wait3A_279 = tpu.memref_slice %arg6[%dma_wait3A_277, %dma_wait3A_278] : memref<823296x128xf32, #tpu.memory_space<hbm>> -> memref<128x128xf32, #tpu.memory_space<hbm>>
    %dma_wait3A_280 = arith.constant 0 : i32
    %dma_wait3A_281 = arith.constant 0 : i32
    %dma_wait3A_282 = tpu.memref_slice %arg6[%dma_wait3A_280, %dma_wait3A_281] : memref<823296x128xf32, #tpu.memory_space<hbm>> -> memref<128x128xf32, #tpu.memory_space<hbm>>
    %dma_wait3A_283 = arith.constant 0 : i32
    %dma_wait3A_284 = arith.constant 0 : i32
    %dma_wait3A_285 = tpu.memref_slice %arg8[%dma_wait3A_272, %dma_wait3A_283, %dma_wait3A_284] : memref<4x128x128xf32, #tpu.memory_space<vmem>> -> memref<1x128x128xf32, #tpu.memory_space<vmem>>
    %dma_wait3A_286 = tpu.memref_squeeze %dma_wait3A_285 : memref<1x128x128xf32, #tpu.memory_space<vmem>> -> memref<128x128xf32, #tpu.memory_space<vmem>>
    tpu.wait_dma2 semaphore(%arg23 : memref<!tpu.dma_semaphore, #tpu.memory_space<semaphore_mem>>) src(%dma_wait3A_286 : memref<128x128xf32, #tpu.memory_space<vmem>>) dst(%dma_wait3A_282 : memref<128x128xf32, #tpu.memory_space<hbm>>)
    return
  }
}

</mosaic_0001>

<sc_bundles>
// kernel: kernel.3.cloned.1.call-start
scs
__scs_entry_jumppad:
0x0: {  	(pc) =	sbr.rel $0x88, $3  }
0x1: {  	(tag) =	ssettag $0x0;
	lr =	simm.s32 $0x1  }
0x2: {  	[smem:$0x3F9D] =	sst lr;
	_ =	strace $0xD0000000  }
0x3: {  	_ = 	snop  }
0x4: {  	_ = 	snop  }
0x5: {  	_ = 	snop  }
0x6: {  	_ = 	snop  }
0x7: {  	_ = 	snop  }
__scs_overlays_trampoline_lowered:
0x8: {  	[smem:$0x3FAC] =	sst s0  }
0x9: {  	[smem:$0x3FAD] =	sst s1  }
0xa: {  	[smem:$0x3FAE] =	sst s2  }
0xb: {  	[smem:$0x3FAF] =	sst s3  }
0xc: {  	[smem:$0x3FB0] =	sst s4  }
0xd: {  	[smem:$0x3FB1] =	sst s5  }
0xe: {  	[smem:$0x3FB2] =	sst s6  }
0xf: {  	[smem:$0x3FB3] =	sst s7  }
0x10: {  	[smem:$0x3FB4] =	sst s8  }
0x11: {  	[smem:$0x3FB5] =	sst s9;
	s0 =	simm.s32 @!p0 $0x0  }
0x12: {  	s1 =	sld [smem:$0x3F9B];
	s0 =	simm.s32 @p0 $0x1  }
0x13: {  	[smem:$0x3FB6] =	sst s0;
	s0 =	simm.s32 @!p1 $0x0  }
0x14: {  	s2 =	sld [smem:$0x3F9A];
	s0 =	simm.s32 @p1 $0x1  }
0x15: {  	[smem:$0x3FB7] =	sst s0;
	s0 =	simm.s32 @!p2 $0x0  }
0x16: {  	s3 =	sld [smem:$0x3FDB];
	s0 =	simm.s32 @p2 $0x1  }
0x17: {  	s4 =	simm.s32 $0x1BF5;
	[smem:$0x3FB9] =	sst s0  }
0x18: {  	s0 =	sld [smem:$0x3F9C];
	_ =	swait.ge [sflag:s4], $0x0  }
0x19: {  	s7 =	sld [smem:$0x3F9D]  }
0x1a: {  	s8 =	sadd.s32 $0xFFFFE003, lr  }
0x1b: {  	s9 =	sadd.s32 $0xFFFFFEF7, lr;
	s5 =	simm.s32 $0xFFFFFFFF;
	p2 =	slt.u32 s8, $0xFFFFF086  }
0x1c: {  	p1 =	slt.u32 s9, $0xF7A;
	s5 =	simm.s32 @!p2 $0x0  }
0x1d: {  	s5 =	simm.s32 @p1 $0x1;
	p0 =	seq.s32 s7, s2  }
0x1e: {  	s7 =	smul.u32 @!p0 $0xF7A, s2;
	p2 =	seq.s32 @!p0 s5, $0x0  }
0x1f: {  	s9 =	smul.u32 $0xF7A, s1;
	s8 =	simm.s32 @!p0 $0x1BF5;
	p2 =	por !p2, p0  }
0x20: {  	[sflag:s8] =	ssyncset.s32 @!p0 $0xFFFFF086;
	s6 =	sadd.s32 @!p0 s3, s7;
	s7 =	simm.s32 @!p0 $0x108  }
0x21: {  	s3 =	sadd.s32 s3, s9;
	s6 =	sadd.s32 @!p0 $0x88, s6;
	s7 =	simm.s32 @p2 $0x1082  }
0x22: {  	[simem:s7], [sflag:s8] =	dma.local @!p0 [hbm:s6], $0xF7A  }
0x23: {  	s9 =	sor.u32 $0xD0000000, s2;
	s6 =	simm.s32 $0x108;
	_ =	swait.ge @!p0 [sflag:s8], $0x0  }
0x24: {  	s3 =	sadd.s32 $0x88, s3;
	s6 =	simm.s32 @!p1 $0x1082;
	[sflag:s4] =	ssyncset.s32 $0xFFFFF086  }
0x25: {  	[simem:s6], [sflag:s4] =	dma.local [hbm:s3], $0xF7A  }
0x26: {  	[smem:$0x3F9D] =	sst s1;
	(tag) =	ssettag s2;
	_ =	strace s9  }
0x27: {  	s1 =	sld [smem:$0x3FAD]  }
0x28: {  	s2 =	sld [smem:$0x3FAE]  }
0x29: {  	s4 =	sld [smem:$0x3FB0]  }
0x2a: {  	p0 =	seq.s32 s5, $0x0;
	s5 =	sld [smem:$0x3FB1]  }
0x2b: {  	s6 =	sld [smem:$0x3FB2]  }
0x2c: {  	s7 =	sld [smem:$0x3FB3]  }
0x2d: {  	s3 =	simm.s32 $0x108;
	s8 =	sld [smem:$0x3FB4]  }
0x2e: {  	s3 =	simm.s32 @!p0 $0x1082;
	s9 =	sld [smem:$0x3FB5]  }
0x2f: {  	lr =	sadd.s32 s0, s3;
	s0 =	sld [smem:$0x3FAC]  }
0x30: {  	s3 =	sld [smem:$0x3FAF]  }
0x31: {  	[smem:$0x3FB8] =	sst s10  }
0x32: {  	s10 =	sld [smem:$0x3FB6];
	_ =	sdelay $0x3  }
0x33: {  	p0 =	seq.s32 s10, $0x1;
	s10 =	sld [smem:$0x3FB8];
	_ =	sdelay $0x3  }
0x34: {  	[smem:$0x3FB8] =	sst s10  }
0x35: {  	s10 =	sld [smem:$0x3FB7];
	_ =	sdelay $0x3  }
0x36: {  	p1 =	seq.s32 s10, $0x1;
	s10 =	sld [smem:$0x3FB8];
	_ =	sdelay $0x3  }
0x37: {  	[smem:$0x3FB8] =	sst s10  }
0x38: {  	s10 =	sld [smem:$0x3FB9]  }
0x39: {  	_ = 	snop;
	(pc) =	sbr.ind lr, $3  }
0x3a: {  	_ = 	snop  }
0x3b: {  	_ = 	snop  }
0x3c: {  	p2 =	seq.s32 s10, $0x1;
	s10 =	sld [smem:$0x3FB8]  }
0x3d: {  	_ =	shalt  }
0x3e: {  	_ =	shalt  }
0x3f: {  	_ =	shalt  }
0x40: {  	_ =	shalt  }
0x41: {  	_ =	shalt  }
0x42: {  	_ =	shalt  }
0x43: {  	_ =	shalt  }
0x44: {  	_ =	shalt  }
0x45: {  	_ =	shalt  }
0x46: {  	_ =	shalt  }
0x47: {  	_ =	shalt  }
0x48: {  	_ =	shalt  }
0x49: {  	_ =	shalt  }
0x4a: {  	_ =	shalt  }
0x4b: {  	_ =	shalt  }
0x4c: {  	_ =	shalt  }
0x4d: {  	_ =	shalt  }
0x4e: {  	_ =	shalt  }
0x4f: {  	_ =	shalt  }
0x50: {  	_ =	shalt  }
0x51: {  	_ =	shalt  }
0x52: {  	_ =	shalt  }
0x53: {  	_ =	shalt  }
0x54: {  	_ =	shalt  }
0x55: {  	_ =	shalt  }
0x56: {  	_ =	shalt  }
0x57: {  	_ =	shalt  }
0x58: {  	_ =	shalt  }
0x59: {  	_ =	shalt  }
0x5a: {  	_ =	shalt  }
0x5b: {  	_ =	shalt  }
0x5c: {  	_ =	shalt  }
0x5d: {  	_ =	shalt  }
0x5e: {  	_ =	shalt  }
0x5f: {  	_ =	shalt  }
0x60: {  	_ =	shalt  }
0x61: {  	_ =	shalt  }
0x62: {  	_ =	shalt  }
0x63: {  	_ =	shalt  }
0x64: {  	_ =	shalt  }
0x65: {  	_ =	shalt  }
0x66: {  	_ =	shalt  }
0x67: {  	_ =	shalt  }
0x68: {  	_ =	shalt  }
0x69: {  	_ =	shalt  }
0x6a: {  	_ =	shalt  }
0x6b: {  	_ =	shalt  }
0x6c: {  	_ =	shalt  }
0x6d: {  	_ =	shalt  }
0x6e: {  	_ =	shalt  }
0x6f: {  	_ =	shalt  }
0x70: {  	_ =	shalt  }
0x71: {  	_ =	shalt  }
0x72: {  	_ =	shalt  }
0x73: {  	_ =	shalt  }
0x74: {  	_ =	shalt  }
0x75: {  	_ =	shalt  }
0x76: {  	_ =	shalt  }
0x77: {  	_ =	shalt  }
0x78: {  	_ =	shalt  }
0x79: {  	_ =	shalt  }
0x7a: {  	_ =	shalt  }
0x7b: {  	_ =	shalt  }
0x7c: {  	_ =	shalt  }
0x7d: {  	_ =	shalt  }
0x7e: {  	_ =	shalt  }
0x7f: {  	_ =	shalt  }
0x80: {  	_ =	shalt  }
0x81: {  	_ =	shalt  }
0x82: {  	_ =	shalt  }
0x83: {  	_ =	shalt  }
0x84: {  	_ =	shalt  }
0x85: {  	_ =	shalt  }
0x86: {  	_ =	shalt  }
0x87: {  	_ =	shalt  }
.Lfunc_end0:
.L_simem_size_0:
called_computation_lowered:
.L_overlay_start_0:
0x88: {  	s2 =	sld [smem:$0x3FD9]  }
0x89: {  	s3 =	sld [smem:$0x3FFE];
	_ =	sdelay $0x1  }
0x8a: {  	s1 =	srdreg.scid  }
0x8b: {  	s0 =	sand.u32 $0x1, s1  }
0x8c: {  	s18 =	sshll.u32 s0, $0xA;
	s2 =	sadd.s32 s3, s2  }
0x8d: {  	s2 =	sadd.s32 s2, s18  }
0x8e: {  	[smem:$0x3FC4] =	sst s2  }
0x8f: {  	_ = 	snop  }
0x90: {  	s2 =	sld [smem:$0x3FC9]  }
0x91: {  	s19 =	sld [smem:$0x3FC8]  }
0x92: {  	s4 =	sld [smem:$0x3FC7]  }
0x93: {  	s5 =	sld [smem:$0x3FC6]  }
0x94: {  	s6 =	sld [smem:$0x3FD0];
	(tm) =	ssettm $0x1  }
0x95: {  	s7 =	sld [smem:$0x3FFB];
	_ =	sdelay $0x3  }
0x96: {  	_ =	strace s7  }
0x97: {  	s7 =	sld [smem:$0x3FFC];
	_ =	sdelay $0x3  }
0x98: {  	_ =	strace s7  }
0x99: {  	s7 =	sld [smem:$0x3FFD];
	_ =	sdelay $0x3  }
0x9a: {  	_ =	strace s7  }
0x9b: {  	_ =	strace $0x8FFFFFFF  }
0x9c: {  	s20 =	sld [smem:$0x3FDB];
	_ =	sdelay $0x1  }
0x9d: {  	s8 =	simm.s32 $_scs_section_size  }
0x9e: {  	s9 =	simm.s32 $_size__tile_overlayer_lowered;
	s10 =	simm.s32 $_tile_overlayer_lowered  }
0x9f: {  	s23 =	simm.s32 $0x1BFF;
	s22 =	sshll.u32 s10, $0x1;
	s7 =	sadd.s32 s8, s20  }
0xa0: {  	s11 =	simm.s32 $0x0;
	s21 =	sshll.u32 s9, $0x1;
	s9 =	sadd.s32 s22, s7  }
0xa1: {  	[timem:s11], [sflag:s23] =	dma.local [hbm:s9], s21  }
0xa2: {  	_ =	swait.ge [sflag:s23], s21  }
0xa3: {  	s8 =	ssub.s32 $0x0, s21;
	[sflag:s23] =	ssyncset.done $0x0  }
0xa4: {  	[sflag:s23] =	ssyncadd.s32 s8;
	_ =	sdelay $0x1  }
0xa5: {  	s24 =	simm.s32 $0x1B8B  }
0xa6: {  	_ =	swait.ge [sflag:s24], $0x1  }
0xa7: {  	[sflag:s24] =	ssyncset.done $0x0  }
0xa8: {  	s25 =	simm.s32 $0x1B8E;
	[sflag:s24] =	ssyncadd.s32 $0xFFFFFFFF  }
0xa9: {  	s26 =	simm.s32 $execute0_lowered;
	[smem:$0x3FD2] =	sst s25  }
0xaa: {  	s8 =	sshll.u32 s26, $0x1;
	_ =	strace $0x80000046;
	[dreg:$0x1] =	wrdreg $0xFFFFFFFF  }
0xab: {  	s28 =	simm.s32 $_size_execute0_lowered;
	s7 =	sadd.s32 s7, s8;
	[dreg:$0x0] =	wrdreg $0x0  }
0xac: {  	s8 =	sshll.u32 s28, $0x1;
	[dreg:$0x2] =	wrdreg s7  }
0xad: {  	[dreg:$0x3] =	wrdreg s8  }
0xae: {  	[dreg:$0x4] =	wrdreg $0xC0  }
0xaf: {  	_ =	task [dreg:s11], $0x5FFFF  }
0xb0: {  	[dreg:$0x1] =	wrdreg $0xFFFFFFFF  }
0xb1: {  	[dreg:$0x0] =	wrdreg $0x60  }
0xb2: {  	[dreg:$0x2] =	wrdreg s2  }
0xb3: {  	[dreg:$0x3] =	wrdreg s19  }
0xb4: {  	[dreg:$0x4] =	wrdreg s4  }
0xb5: {  	[dreg:$0x5] =	wrdreg s5  }
0xb6: {  	[dreg:$0x6] =	wrdreg s6  }
0xb7: {  	[dreg:$0x7] =	wrdreg $0x9  }
0xb8: {  	_ =	task.clear_ibuf [dreg:s11], $0x8FFFF;
	_ =	strace $0x90000046  }
0xb9: {  	s29 =	simm.s32 $0x9;
	_ =	strace $0x80000048  }
0xba: {  	_ =	swait.ge [sflag:s29], $0x1  }
0xbb: {  	[sflag:s29] =	ssyncadd.s32 $0xFFFFFFFF  }
0xbc: {  	_ =	strace $0x90000048  }
0xbd: {  	_ =	sfence  }
0xbe: {  	s30 =	sld [smem:$0x0];
	_ =	sdelay $0x2  }
0xbf: {  	s31 =	sshll.u32 s1, $0xD;
	s1 =	sshrl.u32 s1, $0x2  }
0xc0: {  	s3 =	sand.u32 $0x4000, s31;
	s1 =	sadd.s32 s1, s30  }
0xc1: {  	s0 =	sor.u32 s3, s0;
	s1 =	sshll.u32 s1, $0x11  }
0xc2: {  	s0 =	sor.u32 s1, s0  }
0xc3: {  	s0 =	sadd.s32 $0x8F2B, s0  }
0xc4: {  	[sflag:s0] =	ssyncadd.remote.s32 $0x1  }
0xc5: {  	_ =	sfence.sel $0xFFFF  }
0xc6: {  	[dreg:$0x0] =	wrdreg $0xFFFFFFFF;
	(pc) =	sbr.abs _section_cstart, $3  }
0xc7: {  	[dreg:$0x1] =	wrdreg $0xFFFFFFFF  }
0xc8: {  	_ =	task.clear_ibuf [dreg:s11], $0x2FFFF;
	_ =	strace $0x9FFFFFFF  }
0xc9: {  	(tm) =	ssettm $0x7FFFFFFF  }
tec
execute0_lowered:
.L_overlay_start_1:
0x0: {  	(tag) =	ssettag $0x1  }
0x1: {  	s0 =	rddreg [dreg:$0x0]  }
0x2: {  	s1 =	rddreg [dreg:$0x1]  }
0x3: {  	s2 =	rddreg [dreg:$0x2];
	s3 =	srdreg.scid  }
0x4: {  	s5 =	stileid.u32;
	s4 =	rddreg [dreg:$0x4];
	s28 =	simm.s32 $0x3  }
0x5: {  	s29 =	simm.s32 $0x4200;
	s30 =	simm.s32 $0x6;
	s31 =	simm.s32 $0x180  }
0x6: {  	s19 =	simm.s32 $0x9;
	s18 =	simm.s32 $0x0;
	s3 =	sand.u32 $0x1, s3  }
0x7: {  	s6 =	sshll.u32 s5, $0x1;
	s5 =	simm.s32 $0x0;
	s12 =	sadd.s32 $0x10000, s4  }
0x8: {  	s7 =	sor.u32 s3, s6;
	[smem:$0x7FF] =	sst s5;
	s3 =	ssub.s32 $0x2, s3  }
0x9: {  	s6 =	smul.u32 $0xC8, s7;
	_ =	strace $0x80000047;
	s8 =	sshrl.u32 s3, $0x1  }
0xa: {  	s10 =	sshll.u32 s7, $0xA;
	s22 =	sshll.u32 s7, $0x4;
	s7 =	sshll.u32 s7, $0xB  }
0xb: {  	s10 =	sand.u32 $0xC00, s10;
	s3 =	ssub.s32 s3, s8;
	s1 =	sadd.s32 s1, s22  }
0xc: {  	s23 =	sadd.s32 s4, s7;
	s4 =	simm.s32 $0x7;
	s7 =	simm.s32 $0x5  }
0xd: {  	s22 =	simm.s32 $0xB;
	s9 =	sshll.u32 s6, $0x4;
	[dreg:$0x6] =	wrdreg s1  }
0xe: {  	s11 =	sshrl.u32 s6, $0x1;
	[dreg:$0x7] =	wrdreg s23;
	s13 =	sor.u32 $0x1, s6  }
0xf: {  	s14 =	sor.u32 $0x4, s6;
	s15 =	sor.u32 $0x2, s6;
	s16 =	sor.u32 $0x5, s6  }
0x10: {  	s17 =	sor.u32 $0x6, s6;
	s26 =	smax.u32 s3, $0x1;
	s9 =	sand.u32 $0x1F000, s9  }
0x11: {  	s3 =	simm.s32 $0x4;
	s21 =	sand.u32 $0x70, s11;
	s20 =	sor.u32 s10, s9  }
.Ltmp0:
0x12: {  	[dreg:$0xb] =	wrdreg s26;
	s8 =	sor.u32 s21, s20;
	(pc) =	sbr.rel .LBB2_1-.Ltmp0, $4  }
0x13: {  	s10 =	simm.s32 $0x8;
	s9 =	simm.s32 $0xD;
	s24 =	sadd.s32 s0, s8  }
0x14: {  	s21 =	simm.s32 $0x80;
	s25 =	sadd.s32 $0x80, s24;
	[dreg:$0x8] =	wrdreg s24  }
0x15: {  	s8 =	simm.s32 $0xC200;
	s1 =	sadd.s32 $0x100, s24;
	[dreg:$0x9] =	wrdreg s25  }
0x16: {  	s24 =	simm.s32 $0x100;
	[dreg:$0xa] =	wrdreg s1;
	s1 =	simm.s32 $0x8200  }
.LBB2_14:
0x17: {  	s11 =	simm.s32 $0xA  }
0x18: {  	_ =	swait.ge [sflag:s11], $0x4000  }
0x19: {  	[sflag:s11] =	ssyncset.done $0x0  }
0x1a: {  	[sflag:s11] =	ssyncadd.s32 $0xFFFFC000  }
0x1b: {  	_ =	swait.ge [sflag:s22], $0x4000  }
0x1c: {  	[sflag:s22] =	ssyncset.done $0x0  }
0x1d: {  	s25 =	simm.s32 $0xC;
	[sflag:s22] =	ssyncadd.s32 $0xFFFFC000  }
0x1e: {  	_ =	swait.ge [sflag:s25], $0x4000  }
0x1f: {  	[sflag:s25] =	ssyncset.done $0x0  }
0x20: {  	[sflag:s25] =	ssyncadd.s32 $0xFFFFC000  }
0x21: {  	_ =	swait.ge [sflag:s9], $0x4000  }
0x22: {  	s18 =	rddreg [dreg:$0xc]  }
0x23: {  	s26 =	rddreg [dreg:$0xb];
	s18 =	sadd.s32 $0x1, s18  }
0x24: {  	p0 =	sne.s32 s18, s26  }
.Ltmp1:
0x25: {  	_ = 	snop;
	(pc) =	sbr.rel @!p0 .LBB2_15-.Ltmp1, $3  }
0x26: {  	_ =	sdelay $0x1  }
0x27: {  	[sflag:s9] =	ssyncset.done $0x0  }
0x28: {  	[sflag:s9] =	ssyncadd.s32 $0xFFFFC000  }
.LBB2_1:
0x29: {  	[dreg:$0xc] =	wrdreg s18  }
0x2a: {  	s11 =	rddreg [dreg:$0x6];
	s23 =	simm.s32 $0x10200;
	s25 =	simm.s32 $0xE  }
0x2b: {  	[tilespmem:s23], [sflag:$0xE] =	stream.linear.gather [hbm4b:s11+s5], $0x80, $0x38;
	[tilespmem:$0x14280] =	vst v63  }
0x2c: {  	_ =	swait.ge [sflag:s25], $0x80  }
0x2d: {  	[sflag:s25] =	ssyncset.done $0x0  }
0x2e: {  	[sflag:s25] =	ssyncadd.s32 $0xFFFFFF80  }
0x2f: {  	s20 =	simm.s32 $0x10280;
	s26 =	simm.s32 $0x1;
	s11 =	rddreg [dreg:$0x3]  }
0x30: {  	[tilespmem:s20], [sflag:$0x1] =	stream.indirect.gather [hbm4b:s11+s21], $0x80, s23, s21, $0xb8;
	[tilespmem:$0x14280] =	vst v63  }
0x31: {  	_ =	swait.ge [sflag:s26], $0x4000  }
0x32: {  	[sflag:s26] =	ssyncset.done $0x0  }
0x33: {  	s11 =	simm.s32 $0x0;
	[sflag:s26] =	ssyncadd.s32 $0xFFFFC000  }
0x34: {  	v3 =	vld [tilespmem:s11+$0x10280]  }
0x35: {  	v5 =	vld [tilespmem:s11+$0x10290]  }
0x36: {  	v4 =	vld [tilespmem:s11+$0x102A0]  }
0x37: {  	v2 =	vld [tilespmem:s11+$0x102B0]  }
0x38: {  	v0 =	vld [tilespmem:s11+$0x102C0]  }
0x39: {  	v1 =	vld [tilespmem:s11+$0x102D0];
	v6 =	vmul.f32 $8.838834610e-02, v3  }
0x3a: {  	s18 =	simm.s32 $0x200;
	v5 =	vmul.f32 $8.838834610e-02, v5;
	v3 =	vld [tilespmem:s11+$0x102E0]  }
.LBB2_2:
0x3b: {  	s20 =	sshra.s32 s18, $0x2;
	p0 =	sne.s32 s18, $0xFE00;
	[tilespmem:s11+$0x10280] =	vst v6;
	v4 =	vmul.f32 $8.838834610e-02, v4;
	v6 =	vld [tilespmem:s11+$0x102F0]  }
0x3c: {  	v7 =	vld [tilespmem:s20+$0x10280];
	[tilespmem:s11+$0x10290] =	vst v5;
	v2 =	vmul.f32 $8.838834610e-02, v2  }
0x3d: {  	v5 =	vld [tilespmem:s20+$0x10290];
	[tilespmem:s11+$0x102A0] =	vst v4;
	v0 =	vmul.f32 $8.838834610e-02, v0  }
.Ltmp2:
0x3e: {  	v4 =	vld [tilespmem:s20+$0x102A0];
	[tilespmem:s11+$0x102B0] =	vst v2;
	v1 =	vmul.f32 $8.838834610e-02, v1;
	(pc) =	sbr.rel @p0 .LBB2_2-.Ltmp2, $4  }
0x3f: {  	v2 =	vld [tilespmem:s20+$0x102B0];
	[tilespmem:s11+$0x102C0] =	vst v0;
	v3 =	vmul.f32 $8.838834610e-02, v3  }
0x40: {  	v0 =	vld [tilespmem:s20+$0x102C0];
	[tilespmem:s11+$0x102D0] =	vst v1;
	v8 =	vmul.f32 $8.838834610e-02, v6  }
0x41: {  	v6 =	vmul.f32 $8.838834610e-02, v7;
	v1 =	vld [tilespmem:s20+$0x102D0];
	[tilespmem:s11+$0x102E0] =	vst v3  }
0x42: {  	s18 =	sadd.s32 $0x200, s18;
	v5 =	vmul.f32 $8.838834610e-02, v5;
	v3 =	vld [tilespmem:s20+$0x102E0];
	[tilespmem:s11+$0x102F0] =	vst v8;
	s11 =	smov.u32 s20  }
0x43: {  	[tilespmem:s11+$0x10280] =	vst v6;
	v4 =	vmul.f32 $8.838834610e-02, v4;
	v61 =	vld [tilespmem:s11+$0x102F0]  }
0x44: {  	[tilespmem:s11+$0x10290] =	vst v5;
	v2 =	vmul.f32 $8.838834610e-02, v2  }
0x45: {  	[tilespmem:s11+$0x102A0] =	vst v4;
	v0 =	vmul.f32 $8.838834610e-02, v0  }
0x46: {  	[tilespmem:s11+$0x102B0] =	vst v2;
	v1 =	vmul.f32 $8.838834610e-02, v1  }
0x47: {  	[tilespmem:s11+$0x102C0] =	vst v0;
	v62 =	vmul.f32 $8.838834610e-02, v3  }
0x48: {  	[tilespmem:s11+$0x102D0] =	vst v1;
	v63 =	vmul.f32 $8.838834610e-02, v61  }
0x49: {  	s25 =	simm.s32 $0x0;
	[tilespmem:s11+$0x102E0] =	vst v62  }
0x4a: {  	s20 =	rddreg [dreg:$0x7];
	s18 =	simm.s32 $0x10280;
	s23 =	simm.s32 $0xE;
	[tilespmem:s11+$0x102F0] =	vst v63  }
0x4b: {  	[hbm4b:s20+s25] =	stream.linear.scatter [tilespmem:s18], [sflag:$0xE], $0x4000, $0x38;
	[tilespmem:$0x14280] =	vst v63  }
0x4c: {  	_ =	swait.ge [sflag:s23], $0x4000  }
0x4d: {  	[sflag:s23] =	ssyncset.done $0x0  }
0x4e: {  	s26 =	rddreg [dreg:$0x8];
	[sflag:s23] =	ssyncadd.s32 $0xFFFFC000  }
0x4f: {  	[tilespmem:s25], [sflag:$0x2] =	stream.linear.gather [hbm4b:s26+s25], $0x80, $0x38;
	[tilespmem:$0x14280] =	vst v63  }
0x50: {  	s18 =	rddreg [dreg:$0x9]  }
0x51: {  	[tilespmem:s21], [sflag:$0x3] =	stream.linear.gather [hbm4b:s18+s25], $0x80, $0x38;
	[tilespmem:$0x14280] =	vst v63  }
0x52: {  	s20 =	rddreg [dreg:$0xa];
	s23 =	simm.s32 $0x2  }
0x53: {  	[tilespmem:s24], [sflag:$0x4] =	stream.linear.gather [hbm4b:s20+s25], $0x80, $0x38;
	[tilespmem:$0x14280] =	vst v63  }
0x54: {  	_ =	swait.ge [sflag:s23], $0x80  }
0x55: {  	[sflag:s23] =	ssyncset.done $0x0  }
0x56: {  	s26 =	simm.s32 $0x200;
	[sflag:s23] =	ssyncadd.s32 $0xFFFFFF80  }
0x57: {  	[tilespmem:s26], [sflag:$0x6] =	stream.indirect.gather [hbm4b:s2+s21], $0x80, s25, s21, $0xb8;
	[tilespmem:$0x14280] =	vst v63  }
0x58: {  	_ =	swait.ge [sflag:s28], $0x80  }
0x59: {  	[sflag:s28] =	ssyncset.done $0x0  }
0x5a: {  	[sflag:s28] =	ssyncadd.s32 $0xFFFFFF80  }
0x5b: {  	[tilespmem:s29], [sflag:$0x7] =	stream.indirect.gather [hbm4b:s2+s21], $0x80, s21, s21, $0xb8;
	[tilespmem:$0x14280] =	vst v63  }
.LBB2_4:
0x5c: {  	_ =	swait.ge [sflag:s30], $0x4000  }
0x5d: {  	[sflag:s30] =	ssyncset.done $0x0  }
0x5e: {  	s18 =	simm.s32 $0x0;
	[sflag:s30] =	ssyncadd.s32 $0xFFFFC000  }
0x5f: {  	v3 =	vld [tilespmem:s18+$0x200]  }
0x60: {  	v5 =	vld [tilespmem:s18+$0x210]  }
0x61: {  	v4 =	vld [tilespmem:s18+$0x220]  }
0x62: {  	v2 =	vld [tilespmem:s18+$0x230]  }
0x63: {  	v0 =	vld [tilespmem:s18+$0x240]  }
0x64: {  	v1 =	vld [tilespmem:s18+$0x250];
	v6 =	vmul.f32 $8.838834610e-02, v3  }
0x65: {  	s11 =	simm.s32 $0x200;
	v5 =	vmul.f32 $8.838834610e-02, v5;
	v3 =	vld [tilespmem:s18+$0x260]  }
.LBB2_5:
0x66: {  	s20 =	sshra.s32 s11, $0x2;
	p0 =	sne.s32 s11, $0xFE00;
	[tilespmem:s18+$0x200] =	vst v6;
	v4 =	vmul.f32 $8.838834610e-02, v4;
	v6 =	vld [tilespmem:s18+$0x270]  }
0x67: {  	v7 =	vld [tilespmem:s20+$0x200];
	[tilespmem:s18+$0x210] =	vst v5;
	v2 =	vmul.f32 $8.838834610e-02, v2  }
0x68: {  	v5 =	vld [tilespmem:s20+$0x210];
	[tilespmem:s18+$0x220] =	vst v4;
	v0 =	vmul.f32 $8.838834610e-02, v0  }
.Ltmp3:
0x69: {  	v4 =	vld [tilespmem:s20+$0x220];
	[tilespmem:s18+$0x230] =	vst v2;
	v1 =	vmul.f32 $8.838834610e-02, v1;
	(pc) =	sbr.rel @p0 .LBB2_5-.Ltmp3, $4  }
0x6a: {  	v2 =	vld [tilespmem:s20+$0x230];
	[tilespmem:s18+$0x240] =	vst v0;
	v3 =	vmul.f32 $8.838834610e-02, v3  }
0x6b: {  	v0 =	vld [tilespmem:s20+$0x240];
	[tilespmem:s18+$0x250] =	vst v1;
	v8 =	vmul.f32 $8.838834610e-02, v6  }
0x6c: {  	v6 =	vmul.f32 $8.838834610e-02, v7;
	v1 =	vld [tilespmem:s20+$0x250];
	[tilespmem:s18+$0x260] =	vst v3  }
0x6d: {  	s11 =	sadd.s32 $0x200, s11;
	v5 =	vmul.f32 $8.838834610e-02, v5;
	v3 =	vld [tilespmem:s20+$0x260];
	[tilespmem:s18+$0x270] =	vst v8;
	s18 =	smov.u32 s20  }
0x6e: {  	[tilespmem:s18+$0x200] =	vst v6;
	v4 =	vmul.f32 $8.838834610e-02, v4;
	v6 =	vld [tilespmem:s18+$0x270]  }
0x6f: {  	[tilespmem:s18+$0x210] =	vst v5;
	v2 =	vmul.f32 $8.838834610e-02, v2  }
0x70: {  	[tilespmem:s18+$0x220] =	vst v4;
	v0 =	vmul.f32 $8.838834610e-02, v0  }
0x71: {  	[tilespmem:s18+$0x230] =	vst v2;
	v1 =	vmul.f32 $8.838834610e-02, v1  }
0x72: {  	s11 =	sshll.u32 s25, $0x2;
	[tilespmem:s18+$0x240] =	vst v0;
	v0 =	vmul.f32 $8.838834610e-02, v3  }
0x73: {  	s20 =	sadd.s32 s6, s11;
	[tilespmem:s18+$0x250] =	vst v1;
	v1 =	vmul.f32 $8.838834610e-02, v6  }
0x74: {  	s23 =	sshll.u32 s20, $0xB;
	[tilespmem:s18+$0x260] =	vst v0  }
0x75: {  	s26 =	simm.s32 $0x200;
	s23 =	sadd.s32 s23, s12;
	[tilespmem:s18+$0x270] =	vst v1;
	s18 =	sadd.s32 $0x3, s20  }
0x76: {  	[hbm4b:s23+s5] =	stream.linear.scatter [tilespmem:s26], [sflag:$0xA], $0x4000, $0x38;
	[tilespmem:$0x14280] =	vst v63  }
0x77: {  	s20 =	sshll.u32 s18, $0x4;
	s23 =	sshll.u32 s18, $0x7;
	s26 =	sshrl.u32 s18, $0x1  }
0x78: {  	s20 =	sand.u32 $0xFFFF000, s20;
	s23 =	sand.u32 $0xF80, s23;
	s26 =	sand.u32 $0x70, s26  }
0x79: {  	s20 =	sor.u32 s20, s23;
	s26 =	sadd.s32 s0, s26  }
0x7a: {  	p0 =	seq.s32 s25, $0x0;
	s20 =	sadd.s32 s20, s26  }
0x7b: {  	[tilespmem:s31], [sflag:$0x5] =	stream.linear.gather [hbm4b:s20+s5], $0x80, $0x38;
	[tilespmem:$0x14280] =	vst v63  }
0x7c: {  	s20 =	simm.s32 @!p0 $0xC  }
0x7d: {  	_ =	swait.ge @!p0 [sflag:s20], $0x4000  }
0x7e: {  	[sflag:s20] =	ssyncset.done @!p0 $0x0  }
0x7f: {  	[sflag:s20] =	ssyncadd.s32 @!p0 $0xFFFFC000  }
0x80: {  	_ =	swait.ge [sflag:s3], $0x80  }
0x81: {  	[sflag:s3] =	ssyncset.done $0x0  }
0x82: {  	[sflag:s3] =	ssyncadd.s32 $0xFFFFFF80  }
0x83: {  	[tilespmem:s1], [sflag:$0x8] =	stream.indirect.gather [hbm4b:s2+s21], $0x80, s24, s21, $0xb8;
	[tilespmem:$0x14280] =	vst v63  }
0x84: {  	_ =	swait.ge [sflag:s4], $0x4000  }
0x85: {  	[sflag:s4] =	ssyncset.done $0x0  }
0x86: {  	s20 =	simm.s32 $0x0;
	[sflag:s4] =	ssyncadd.s32 $0xFFFFC000  }
0x87: {  	v3 =	vld [tilespmem:s20+$0x4200]  }
0x88: {  	v5 =	vld [tilespmem:s20+$0x4210]  }
0x89: {  	v4 =	vld [tilespmem:s20+$0x4220]  }
0x8a: {  	v2 =	vld [tilespmem:s20+$0x4230]  }
0x8b: {  	v0 =	vld [tilespmem:s20+$0x4240]  }
0x8c: {  	v1 =	vld [tilespmem:s20+$0x4250];
	v6 =	vmul.f32 $8.838834610e-02, v3  }
0x8d: {  	s23 =	simm.s32 $0x200;
	v5 =	vmul.f32 $8.838834610e-02, v5;
	v3 =	vld [tilespmem:s20+$0x4260]  }
.LBB2_7:
0x8e: {  	s26 =	sshra.s32 s23, $0x2;
	p0 =	sne.s32 s23, $0xFE00;
	[tilespmem:s20+$0x4200] =	vst v6;
	v4 =	vmul.f32 $8.838834610e-02, v4;
	v6 =	vld [tilespmem:s20+$0x4270]  }
0x8f: {  	v7 =	vld [tilespmem:s26+$0x4200];
	[tilespmem:s20+$0x4210] =	vst v5;
	v2 =	vmul.f32 $8.838834610e-02, v2  }
0x90: {  	v5 =	vld [tilespmem:s26+$0x4210];
	[tilespmem:s20+$0x4220] =	vst v4;
	v0 =	vmul.f32 $8.838834610e-02, v0  }
.Ltmp4:
0x91: {  	v4 =	vld [tilespmem:s26+$0x4220];
	[tilespmem:s20+$0x4230] =	vst v2;
	v1 =	vmul.f32 $8.838834610e-02, v1;
	(pc) =	sbr.rel @p0 .LBB2_7-.Ltmp4, $4  }
0x92: {  	v2 =	vld [tilespmem:s26+$0x4230];
	[tilespmem:s20+$0x4240] =	vst v0;
	v3 =	vmul.f32 $8.838834610e-02, v3  }
0x93: {  	v0 =	vld [tilespmem:s26+$0x4240];
	[tilespmem:s20+$0x4250] =	vst v1;
	v8 =	vmul.f32 $8.838834610e-02, v6  }
0x94: {  	v6 =	vmul.f32 $8.838834610e-02, v7;
	v1 =	vld [tilespmem:s26+$0x4250];
	[tilespmem:s20+$0x4260] =	vst v3  }
0x95: {  	s23 =	sadd.s32 $0x200, s23;
	v5 =	vmul.f32 $8.838834610e-02, v5;
	v3 =	vld [tilespmem:s26+$0x4260];
	[tilespmem:s20+$0x4270] =	vst v8;
	s20 =	smov.u32 s26  }
0x96: {  	[tilespmem:s20+$0x4200] =	vst v6;
	v4 =	vmul.f32 $8.838834610e-02, v4;
	v6 =	vld [tilespmem:s20+$0x4270]  }
0x97: {  	[tilespmem:s20+$0x4210] =	vst v5;
	v2 =	vmul.f32 $8.838834610e-02, v2  }
0x98: {  	[tilespmem:s20+$0x4220] =	vst v4;
	v0 =	vmul.f32 $8.838834610e-02, v0  }
0x99: {  	[tilespmem:s20+$0x4230] =	vst v2;
	v1 =	vmul.f32 $8.838834610e-02, v1  }
0x9a: {  	[tilespmem:s20+$0x4240] =	vst v0;
	v0 =	vmul.f32 $8.838834610e-02, v3  }
0x9b: {  	s23 =	sadd.s32 s11, s13;
	[tilespmem:s20+$0x4250] =	vst v1;
	v1 =	vmul.f32 $8.838834610e-02, v6  }
0x9c: {  	p0 =	seq.s32 s25, $0x31;
	s23 =	sshll.u32 s23, $0xB;
	[tilespmem:s20+$0x4260] =	vst v0  }
0x9d: {  	s26 =	sadd.s32 s23, s12;
	[tilespmem:s20+$0x4270] =	vst v1;
	s20 =	sadd.s32 @!p0 s11, s14  }
0x9e: {  	[hbm4b:s26+s5] =	stream.linear.scatter [tilespmem:s29], [sflag:$0xB], $0x4000, $0x38;
	[tilespmem:$0x14280] =	vst v63  }
0x9f: {  	s23 =	sshll.u32 @!p0 s20, $0x4;
	s26 =	sshll.u32 @!p0 s20, $0x7;
	s20 =	sshrl.u32 @!p0 s20, $0x1  }
0xa0: {  	s23 =	sand.u32 @!p0 $0xFFFF000, s23;
	s26 =	sand.u32 @!p0 $0xE00, s26;
	s20 =	sand.u32 @!p0 $0x70, s20  }
0xa1: {  	p1 =	seq.s32 @!p0 s25, $0x0;
	s23 =	sor.u32 @!p0 s23, s26;
	s20 =	sadd.s32 @!p0 s0, s20  }
0xa2: {  	p1 =	por p0, !p1;
	s20 =	sadd.s32 @!p0 s23, s20;
	s23 =	simm.s32 @!p0 $0x0  }
0xa3: {  	[tilespmem:s23], [sflag:$0x2] =	stream.linear.gather @!p0 [hbm4b:s20+s23], $0x80, $0x38;
	[tilespmem:$0x14280] =	vst v63  }
0xa4: {  	_ =	swait.ge @p1 [sflag:s9], $0x4000  }
0xa5: {  	[sflag:s9] =	ssyncset.done @p1 $0x0  }
0xa6: {  	[sflag:s9] =	ssyncadd.s32 @p1 $0xFFFFC000  }
0xa7: {  	_ =	swait.ge [sflag:s7], $0x80  }
0xa8: {  	[sflag:s7] =	ssyncset.done $0x0  }
0xa9: {  	[sflag:s7] =	ssyncadd.s32 $0xFFFFFF80  }
0xaa: {  	[tilespmem:s8], [sflag:$0x9] =	stream.indirect.gather [hbm4b:s2+s21], $0x80, s31, s21, $0xb8;
	[tilespmem:$0x14280] =	vst v63  }
0xab: {  	_ =	swait.ge [sflag:s10], $0x4000  }
0xac: {  	[sflag:s10] =	ssyncset.done $0x0  }
0xad: {  	s20 =	simm.s32 $0x0;
	[sflag:s10] =	ssyncadd.s32 $0xFFFFC000  }
0xae: {  	v3 =	vld [tilespmem:s20+$0x8200]  }
0xaf: {  	v5 =	vld [tilespmem:s20+$0x8210]  }
0xb0: {  	v4 =	vld [tilespmem:s20+$0x8220]  }
0xb1: {  	v2 =	vld [tilespmem:s20+$0x8230]  }
0xb2: {  	v0 =	vld [tilespmem:s20+$0x8240]  }
0xb3: {  	v1 =	vld [tilespmem:s20+$0x8250];
	v6 =	vmul.f32 $8.838834610e-02, v3  }
0xb4: {  	s23 =	simm.s32 $0x200;
	v5 =	vmul.f32 $8.838834610e-02, v5;
	v3 =	vld [tilespmem:s20+$0x8260]  }
.LBB2_9:
0xb5: {  	s26 =	sshra.s32 s23, $0x2;
	p1 =	sne.s32 s23, $0xFE00;
	[tilespmem:s20+$0x8200] =	vst v6;
	v4 =	vmul.f32 $8.838834610e-02, v4;
	v6 =	vld [tilespmem:s20+$0x8270]  }
0xb6: {  	v7 =	vld [tilespmem:s26+$0x8200];
	[tilespmem:s20+$0x8210] =	vst v5;
	v2 =	vmul.f32 $8.838834610e-02, v2  }
0xb7: {  	v5 =	vld [tilespmem:s26+$0x8210];
	[tilespmem:s20+$0x8220] =	vst v4;
	v0 =	vmul.f32 $8.838834610e-02, v0  }
.Ltmp5:
0xb8: {  	v4 =	vld [tilespmem:s26+$0x8220];
	[tilespmem:s20+$0x8230] =	vst v2;
	v1 =	vmul.f32 $8.838834610e-02, v1;
	(pc) =	sbr.rel @p1 .LBB2_9-.Ltmp5, $4  }
0xb9: {  	v2 =	vld [tilespmem:s26+$0x8230];
	[tilespmem:s20+$0x8240] =	vst v0;
	v3 =	vmul.f32 $8.838834610e-02, v3  }
0xba: {  	v0 =	vld [tilespmem:s26+$0x8240];
	[tilespmem:s20+$0x8250] =	vst v1;
	v8 =	vmul.f32 $8.838834610e-02, v6  }
0xbb: {  	v6 =	vmul.f32 $8.838834610e-02, v7;
	v1 =	vld [tilespmem:s26+$0x8250];
	[tilespmem:s20+$0x8260] =	vst v3  }
0xbc: {  	s23 =	sadd.s32 $0x200, s23;
	v5 =	vmul.f32 $8.838834610e-02, v5;
	v3 =	vld [tilespmem:s26+$0x8260];
	[tilespmem:s20+$0x8270] =	vst v8;
	s20 =	smov.u32 s26  }
0xbd: {  	[tilespmem:s20+$0x8200] =	vst v6;
	v4 =	vmul.f32 $8.838834610e-02, v4;
	v6 =	vld [tilespmem:s20+$0x8270]  }
0xbe: {  	[tilespmem:s20+$0x8210] =	vst v5;
	v2 =	vmul.f32 $8.838834610e-02, v2  }
0xbf: {  	[tilespmem:s20+$0x8220] =	vst v4;
	v0 =	vmul.f32 $8.838834610e-02, v0  }
0xc0: {  	[tilespmem:s20+$0x8230] =	vst v2;
	v1 =	vmul.f32 $8.838834610e-02, v1  }
0xc1: {  	[tilespmem:s20+$0x8240] =	vst v0;
	v0 =	vmul.f32 $8.838834610e-02, v3  }
0xc2: {  	s23 =	sadd.s32 s11, s15;
	[tilespmem:s20+$0x8250] =	vst v1;
	v1 =	vmul.f32 $8.838834610e-02, v6  }
0xc3: {  	s23 =	sshll.u32 s23, $0xB;
	[tilespmem:s20+$0x8260] =	vst v0  }
0xc4: {  	s26 =	sadd.s32 s23, s12;
	[tilespmem:s20+$0x8270] =	vst v1;
	s20 =	sadd.s32 @!p0 s11, s16  }
0xc5: {  	[hbm4b:s26+s5] =	stream.linear.scatter [tilespmem:s1], [sflag:$0xC], $0x4000, $0x38;
	[tilespmem:$0x14280] =	vst v63  }
0xc6: {  	s23 =	sshll.u32 @!p0 s20, $0x4;
	s26 =	sshll.u32 @!p0 s20, $0x7;
	s20 =	sshrl.u32 @!p0 s20, $0x1  }
0xc7: {  	s23 =	sand.u32 @!p0 $0xFFFF000, s23;
	s26 =	sand.u32 @!p0 $0xE80, s26;
	s20 =	sand.u32 @!p0 $0x70, s20  }
0xc8: {  	s23 =	sor.u32 @!p0 s23, s26;
	s20 =	sadd.s32 @!p0 s0, s20  }
0xc9: {  	s26 =	simm.s32 @!p0 $0x80;
	s20 =	sadd.s32 @!p0 s23, s20;
	s23 =	simm.s32 @!p0 $0x0  }
0xca: {  	[tilespmem:s26], [sflag:$0x3] =	stream.linear.gather @!p0 [hbm4b:s20+s23], $0x80, $0x38;
	[tilespmem:$0x14280] =	vst v63  }
0xcb: {  	s20 =	simm.s32 @!p0 $0xA  }
0xcc: {  	_ =	swait.ge @!p0 [sflag:s20], $0x4000  }
0xcd: {  	[sflag:s20] =	ssyncset.done @!p0 $0x0  }
0xce: {  	[sflag:s20] =	ssyncadd.s32 @!p0 $0xFFFFC000;
	s20 =	simm.s32 @!p0 $0x2  }
0xcf: {  	_ =	swait.ge @!p0 [sflag:s20], $0x80  }
0xd0: {  	[sflag:s20] =	ssyncset.done @!p0 $0x0  }
0xd1: {  	[sflag:s20] =	ssyncadd.s32 @!p0 $0xFFFFFF80;
	s20 =	simm.s32 @!p0 $0x200  }
0xd2: {  	[tilespmem:s20], [sflag:$0x6] =	stream.indirect.gather @!p0 [hbm4b:s2+s26], $0x80, s23, s26, $0xb8;
	[tilespmem:$0x14280] =	vst v63  }
0xd3: {  	_ =	swait.ge [sflag:s19], $0x4000  }
0xd4: {  	[sflag:s19] =	ssyncset.done $0x0  }
0xd5: {  	s20 =	simm.s32 $0x0;
	[sflag:s19] =	ssyncadd.s32 $0xFFFFC000  }
0xd6: {  	v3 =	vld [tilespmem:s20+$0xC200]  }
0xd7: {  	v5 =	vld [tilespmem:s20+$0xC210]  }
0xd8: {  	v4 =	vld [tilespmem:s20+$0xC220]  }
0xd9: {  	v2 =	vld [tilespmem:s20+$0xC230]  }
0xda: {  	v0 =	vld [tilespmem:s20+$0xC240]  }
0xdb: {  	v1 =	vld [tilespmem:s20+$0xC250];
	v6 =	vmul.f32 $8.838834610e-02, v3  }
0xdc: {  	s23 =	simm.s32 $0x200;
	v5 =	vmul.f32 $8.838834610e-02, v5;
	v3 =	vld [tilespmem:s20+$0xC260]  }
.LBB2_11:
0xdd: {  	s26 =	sshra.s32 s23, $0x2;
	p1 =	sne.s32 s23, $0xFE00;
	[tilespmem:s20+$0xC200] =	vst v6;
	v4 =	vmul.f32 $8.838834610e-02, v4;
	v6 =	vld [tilespmem:s20+$0xC270]  }
0xde: {  	v7 =	vld [tilespmem:s26+$0xC200];
	[tilespmem:s20+$0xC210] =	vst v5;
	v2 =	vmul.f32 $8.838834610e-02, v2  }
0xdf: {  	v5 =	vld [tilespmem:s26+$0xC210];
	[tilespmem:s20+$0xC220] =	vst v4;
	v0 =	vmul.f32 $8.838834610e-02, v0  }
.Ltmp6:
0xe0: {  	v4 =	vld [tilespmem:s26+$0xC220];
	[tilespmem:s20+$0xC230] =	vst v2;
	v1 =	vmul.f32 $8.838834610e-02, v1;
	(pc) =	sbr.rel @p1 .LBB2_11-.Ltmp6, $4  }
0xe1: {  	v2 =	vld [tilespmem:s26+$0xC230];
	[tilespmem:s20+$0xC240] =	vst v0;
	v3 =	vmul.f32 $8.838834610e-02, v3  }
0xe2: {  	v0 =	vld [tilespmem:s26+$0xC240];
	[tilespmem:s20+$0xC250] =	vst v1;
	v8 =	vmul.f32 $8.838834610e-02, v6  }
0xe3: {  	v6 =	vmul.f32 $8.838834610e-02, v7;
	v1 =	vld [tilespmem:s26+$0xC250];
	[tilespmem:s20+$0xC260] =	vst v3  }
0xe4: {  	s23 =	sadd.s32 $0x200, s23;
	v5 =	vmul.f32 $8.838834610e-02, v5;
	v3 =	vld [tilespmem:s26+$0xC260];
	[tilespmem:s20+$0xC270] =	vst v8;
	s20 =	smov.u32 s26  }
0xe5: {  	[tilespmem:s20+$0xC200] =	vst v6;
	v4 =	vmul.f32 $8.838834610e-02, v4;
	v61 =	vld [tilespmem:s20+$0xC270]  }
0xe6: {  	[tilespmem:s20+$0xC210] =	vst v5;
	v2 =	vmul.f32 $8.838834610e-02, v2  }
0xe7: {  	[tilespmem:s20+$0xC220] =	vst v4;
	v0 =	vmul.f32 $8.838834610e-02, v0  }
0xe8: {  	[tilespmem:s20+$0xC230] =	vst v2;
	v1 =	vmul.f32 $8.838834610e-02, v1  }
.Ltmp7:
0xe9: {  	[tilespmem:s20+$0xC240] =	vst v0;
	v62 =	vmul.f32 $8.838834610e-02, v3;
	(pc) =	sbr.rel @p0 .LBB2_14-.Ltmp7, $4  }
0xea: {  	[tilespmem:s20+$0xC250] =	vst v1;
	v63 =	vmul.f32 $8.838834610e-02, v61  }
0xeb: {  	s18 =	sshll.u32 s18, $0xB;
	[tilespmem:s20+$0xC260] =	vst v62  }
0xec: {  	s18 =	sadd.s32 s18, s12;
	[tilespmem:s20+$0xC270] =	vst v63  }
0xed: {  	[hbm4b:s18+s5] =	stream.linear.scatter [tilespmem:s8], [sflag:$0xD], $0x4000, $0x38;
	[tilespmem:$0x14280] =	vst v63  }
0xee: {  	s11 =	sadd.s32 s11, s17  }
0xef: {  	s18 =	sshll.u32 s11, $0x4;
	s20 =	sshll.u32 s11, $0x7;
	s11 =	sshrl.u32 s11, $0x1  }
0xf0: {  	s18 =	sand.u32 $0xFFFF000, s18;
	s20 =	sand.u32 $0xF00, s20;
	s11 =	sand.u32 $0x70, s11  }
0xf1: {  	s18 =	sor.u32 s18, s20;
	s11 =	sadd.s32 s0, s11  }
0xf2: {  	s11 =	sadd.s32 s18, s11  }
0xf3: {  	[tilespmem:s24], [sflag:$0x4] =	stream.linear.gather [hbm4b:s11+s5], $0x80, $0x38;
	[tilespmem:$0x14280] =	vst v63  }
0xf4: {  	_ =	swait.ge [sflag:s22], $0x4000  }
0xf5: {  	[sflag:s22] =	ssyncset.done $0x0  }
.Ltmp8:
0xf6: {  	[sflag:s22] =	ssyncadd.s32 $0xFFFFC000;
	(pc) =	sbr.rel .LBB2_4-.Ltmp8, $4  }
0xf7: {  	_ =	swait.ge [sflag:s28], $0x80  }
0xf8: {  	[sflag:s28] =	ssyncset.done $0x0  }
0xf9: {  	s25 =	sadd.s32 $0x1, s25;
	[sflag:s28] =	ssyncadd.s32 $0xFFFFFF80  }
0xfa: {  	[tilespmem:s29], [sflag:$0x7] =	stream.indirect.gather [hbm4b:s2+s21], $0x80, s21, s21, $0xb8;
	[tilespmem:$0x14280] =	vst v63  }
.LBB2_15:
0xfb: {  	_ =	sfence.sel $0x180000  }
0xfc: {  	[bflag:$0x0] =	sbarrier.arrive $0xFFFF  }
0xfd: {  	_ =	strace $0x90000047  }
0xfe: {  	s0 =	stileid.u32;
	[bflag:$0x2] =	sbarrier.arrive $0xFFFF  }
0xff: {  	p0 =	sne.s32 s0, $0x0;
	s0 =	rddreg [dreg:$0x5]  }
0x100: {  	s0 =	sadd.s32 @!p0 $0x100000, s0  }
0x101: {  	[sflag:s0] =	ssyncadd.tile.s32 @!p0 $0x1;
	_ =	shalt  }
.Lfunc_end2:
_tile_overlayer_lowered:
.L_overlay_start_2:
0x102: {  	(tag) =	ssettag $0x2  }
0x103: {  	s0 =	rddreg [dreg:$0x0];
	s2 =	stileid.u32  }
0x104: {  	s1 =	rddreg [dreg:$0x1];
	p0 =	sne.s32 s2, $0x0  }
0x105: {  	s3 =	rddreg [dreg:$0x2];
	[bflag:$0x3] =	sbarrier.arrive $0xFFFF;
	s2 =	simm.s32 @!p0 $0x1C0E  }
0x106: {  	[timem:s3], [sflag:s2] =	dma.local @!p0 [hbm:s0], s1  }
0x107: {  	s0 =	simm.s32 @!p0 $0xE  }
0x108: {  	_ =	swait.ge @!p0 [sflag:s0], s1  }
0x109: {  	s1 =	ssub.s32 @!p0 $0x0, s1;
	[sflag:s0] =	ssyncset.done @!p0 $0x0  }
0x10a: {  	[sflag:s0] =	ssyncadd.s32 @!p0 s1  }
0x10b: {  	[bflag:$0x3] =	sbarrier.arrive $0xFFFF  }
0x10c: {  	_ =	shalt  }

</sc_bundles>
